<compile_context>
chip_gen: v7x
topology: tpu7x:2x2x1
jax: 0.10.2.dev20260603
libtpu: 0.0.44.dev20260713+nightly
codegen_flags: <defaults>
</compile_context>

<pallas_src>
import functools

import jax
import jax.numpy as jnp
from jax import lax
from jax.experimental import pallas as pl
from jax.experimental.pallas import tpu as pltpu
from jax.experimental.pallas import tpu_sc as plsc

N = 10000
E = 320000
D = 128
K = 96
NC = 2
NS = 16
W = NC * NS
NP = 10240
ROWS_PER_TILE = NP // NS
CH = 107
EPW = CH * K
E_PAD = W * EPW - E


def _sc_segment_sum(x, src_r, dst_r, zeros):
    mesh = plsc.VectorSubcoreMesh(core_axis_name="c", subcore_axis_name="s")

    @functools.partial(
        pl.kernel,
        mesh=mesh,
        out_type=jax.ShapeDtypeStruct((NC, NP, D), jnp.float32),
        scratch_types=[
            pltpu.VMEM((CH, K), jnp.int32),
            pltpu.VMEM((CH, K), jnp.int32),
            pltpu.VMEM((K, D), jnp.float32),
            pltpu.VMEM((K, D), jnp.float32),
            pltpu.VMEM_SHARED((NP, D), jnp.float32),
            pltpu.SemaphoreType.DMA,
            pltpu.SemaphoreType.DMA,
        ],
        compiler_params=pltpu.CompilerParams(use_tc_tiling_on_sc=False),
    )
    def body(x_hbm, src_hbm, dst_hbm, zeros_hbm, out_hbm, src_v, dst_v,
             rows0, rows1, agg_sh, sem0, sem1):
        c = lax.axis_index("c")
        s = lax.axis_index("s")
        wid = s * NC + c
        pltpu.sync_copy(src_hbm.at[wid], src_v)
        pltpu.sync_copy(dst_hbm.at[wid], dst_v)
        row0 = s * ROWS_PER_TILE
        pltpu.async_copy(x_hbm.at[src_v.at[0]], rows0, sem0)
        pltpu.async_copy(x_hbm.at[src_v.at[1]], rows1, sem1)
        pltpu.sync_copy(zeros_hbm, agg_sh.at[pl.ds(row0, ROWS_PER_TILE)])
        plsc.subcore_barrier()

        def pair(g, carry):
            c0 = 2 * g
            pltpu.make_async_copy(x_hbm.at[pl.ds(0, K)], rows0, sem0).wait()
            pltpu.sync_copy(rows0, agg_sh.at[dst_v.at[c0]], add=True)
            pltpu.async_copy(x_hbm.at[src_v.at[c0 + 2]], rows0, sem0)
            pltpu.make_async_copy(x_hbm.at[pl.ds(0, K)], rows1, sem1).wait()
            pltpu.sync_copy(rows1, agg_sh.at[dst_v.at[c0 + 1]], add=True)
            pltpu.async_copy(x_hbm.at[src_v.at[c0 + 3]], rows1, sem1)
            return carry

        lax.fori_loop(0, (CH - 3) // 2, pair, 0)
        pltpu.make_async_copy(x_hbm.at[pl.ds(0, K)], rows0, sem0).wait()
        pltpu.sync_copy(rows0, agg_sh.at[dst_v.at[CH - 3]], add=True)
        pltpu.async_copy(x_hbm.at[src_v.at[CH - 1]], rows0, sem0)
        pltpu.make_async_copy(x_hbm.at[pl.ds(0, K)], rows1, sem1).wait()
        pltpu.sync_copy(rows1, agg_sh.at[dst_v.at[CH - 2]], add=True)
        pltpu.make_async_copy(x_hbm.at[pl.ds(0, K)], rows0, sem0).wait()
        pltpu.sync_copy(rows0, agg_sh.at[dst_v.at[CH - 1]], add=True)
        plsc.subcore_barrier()
        pltpu.sync_copy(agg_sh.at[pl.ds(row0, ROWS_PER_TILE)],
                        out_hbm.at[c, pl.ds(row0, ROWS_PER_TILE)])

    return body(x, src_r, dst_r, zeros)


def _dgru_block(part_ref, x_ref, Ww_ref, Wb_ref, Uw_ref, Ub_ref,
                lng_ref, lnb_ref, ln2g_ref, ln2b_ref, out_ref):
    agg = part_ref[0] + part_ref[1]
    h = x_ref[...]
    inp = jnp.concatenate([agg, h], axis=1)
    mu = jnp.mean(inp, axis=1, keepdims=True)
    cent = inp - mu
    var = jnp.mean(cent * cent, axis=1, keepdims=True)
    inp = cent * lax.rsqrt(var + 1e-5) * lng_ref[...] + lnb_ref[...]
    gates = jnp.dot(inp, Ww_ref[...], preferred_element_type=jnp.float32)
    gates = gates + Wb_ref[...]
    g0 = gates[:, 0 * D:1 * D]
    g1 = gates[:, 1 * D:2 * D]
    g2 = gates[:, 2 * D:3 * D]
    g3 = gates[:, 3 * D:4 * D]
    g4 = gates[:, 4 * D:5 * D]
    rx = jax.nn.sigmoid(g0)
    rh = jax.nn.sigmoid(g1)
    m = jnp.maximum(jnp.maximum(g2, g3), g4)
    e2 = jnp.exp(g2 - m)
    e3 = jnp.exp(g3 - m)
    e4 = jnp.exp(g4 - m)
    zs = e2 + e3 + e4
    inp2 = jnp.concatenate([agg * rx, h * rh], axis=1)
    mu2 = jnp.mean(inp2, axis=1, keepdims=True)
    cent2 = inp2 - mu2
    var2 = jnp.mean(cent2 * cent2, axis=1, keepdims=True)
    inp2 = cent2 * lax.rsqrt(var2 + 1e-5) * ln2g_ref[...] + ln2b_ref[...]
    u = jnp.tanh(jnp.dot(inp2, Uw_ref[...], preferred_element_type=jnp.float32)
                 + Ub_ref[...])
    out_ref[...] = (agg * e2 + h * e3 + u * e4) / zs


def _dgru(part, x, gateW_w, gateW_b, gateU_w, gateU_b, ln_g, ln_b, ln2_g, ln2_b):
    R = 2000
    grid = (N // R,)
    return pl.pallas_call(
        _dgru_block,
        grid=grid,
        in_specs=[
            pl.BlockSpec((NC, R, D), lambda i: (0, i, 0)),
            pl.BlockSpec((R, D), lambda i: (i, 0)),
            pl.BlockSpec((2 * D, 5 * D), lambda i: (0, 0)),
            pl.BlockSpec((1, 5 * D), lambda i: (0, 0)),
            pl.BlockSpec((2 * D, D), lambda i: (0, 0)),
            pl.BlockSpec((1, D), lambda i: (0, 0)),
            pl.BlockSpec((1, 2 * D), lambda i: (0, 0)),
            pl.BlockSpec((1, 2 * D), lambda i: (0, 0)),
            pl.BlockSpec((1, 2 * D), lambda i: (0, 0)),
            pl.BlockSpec((1, 2 * D), lambda i: (0, 0)),
        ],
        out_specs=pl.BlockSpec((R, D), lambda i: (i, 0)),
        out_shape=jax.ShapeDtypeStruct((N, D), jnp.float32),
    )(part, x, gateW_w, gateW_b.reshape(1, -1), gateU_w,
      gateU_b.reshape(1, -1), ln_g.reshape(1, -1), ln_b.reshape(1, -1),
      ln2_g.reshape(1, -1), ln2_b.reshape(1, -1))


def kernel(x, edge_index, gateW_w, gateW_b, gateU_w, gateU_b,
           ln_g, ln_b, ln2_g, ln2_b):
    src_p = jnp.concatenate(
        [edge_index[0], jnp.zeros((E_PAD,), jnp.int32)]).reshape(W, CH, K)
    pad_dst = N + jnp.arange(E_PAD, dtype=jnp.int32) % (NP - N)
    dst_p = jnp.concatenate([edge_index[1], pad_dst]).reshape(W, CH, K)
    zeros = jnp.zeros((ROWS_PER_TILE, D), jnp.float32)
    part = _sc_segment_sum(x, src_p, dst_p, zeros)
    return _dgru(part, x, gateW_w, gateW_b, gateU_w, gateU_b,
                 ln_g, ln_b, ln2_g, ln2_b)

# --- scband reference (transcript-rebuilt; emitter-appended) ---
"""Pipeline reference for scband-masnn-25391846654708 (READ-ONLY COPY).

The authoritative reference and input builder live on the scoring server;
editing this copy changes nothing except your own understanding.
"""

import jax, jax.numpy as jnp
import numpy as np

GATE_BIAS = 0.0

def layer_norm(x, g, b, eps=1e-5):
    mu = jnp.mean(x, axis=-1, keepdims=True)
    var = jnp.var(x, axis=-1, keepdims=True)
    return (x - mu) / jnp.sqrt(var + eps) * g + b

def setup_inputs(seed: int = 0) -> dict:
    key = jax.random.key(seed)
    ks = jax.random.split(key, 8)
    N, E, d = 10000, 320000, 128
    x = jax.random.normal(ks[0], (N, d), dtype=jnp.float32)
    edge_index = jax.random.randint(ks[1], (2, E), 0, N, dtype=jnp.int32)
    s1 = 1.0 / np.sqrt(2 * d)
    gateW_w = jax.random.normal(ks[2], (2 * d, 5 * d), dtype=jnp.float32) * s1
    gateW_b = jnp.zeros((5 * d,), dtype=jnp.float32)
    gateU_w = jax.random.normal(ks[3], (2 * d, d), dtype=jnp.float32) * s1
    gateU_b = jnp.zeros((d,), dtype=jnp.float32)
    ln_g = jnp.ones((2 * d,), dtype=jnp.float32)
    ln_b = jnp.zeros((2 * d,), dtype=jnp.float32)
    ln2_g = jnp.ones((2 * d,), dtype=jnp.float32)
    ln2_b = jnp.zeros((2 * d,), dtype=jnp.float32)
    return {"x": x, "edge_index": edge_index, "gateW_w": gateW_w, "gateW_b": gateW_b,
            "gateU_w": gateU_w, "gateU_b": gateU_b, "ln_g": ln_g, "ln_b": ln_b,
            "ln2_g": ln2_g, "ln2_b": ln2_b}

def dgru_cell(xin, h, gateW_w, gateW_b, gateU_w, gateU_b, ln_g, ln_b, ln2_g, ln2_b):
    # faithful DGRUCell.forward (eval mode: dropout = identity, dropout_mask = ones)
    inp = jnp.concatenate([xin, h], axis=1)
    inp = layer_norm(inp, ln_g, ln_b)
    gates = inp @ gateW_w + gateW_b
    g0, g1, g2, g3, g4 = jnp.split(gates, 5, axis=1)
    rx = jax.nn.sigmoid(g0)
    rh = jax.nn.sigmoid(g1)
    z = jax.nn.softmax(jnp.stack([g2, g3, g4 - GATE_BIAS], axis=-1), axis=-1)
    inp2 = jnp.concatenate([xin * rx, h * rh], axis=1)
    inp2 = layer_norm(inp2, ln2_g, ln2_b)
    u = jnp.tanh(inp2 @ gateU_w + gateU_b)
    h_new = (jnp.stack([xin, h, u], axis=2) * z).sum(-1)
    return h_new

def reference(x, edge_index, gateW_w, gateW_b, gateU_w, gateU_b, ln_g, ln_b, ln2_g, ln2_b):
    # MASNN layer: gather source node states along edges, segment-sum aggregate
    # into destination nodes (message passing over the DAG edge frontiers,
    # flattened to a single sparse aggregation pass), then DGRUCell state update.
    src = edge_index[0]
    dst = edge_index[1]
    msg = jnp.take(x, src, axis=0)
    agg = jax.ops.segment_sum(msg, dst, num_segments=x.shape[0])
    h_new = dgru_cell(agg, x, gateW_w, gateW_b, gateU_w, gateU_b, ln_g, ln_b, ln2_g, ln2_b)
    return h_new

if __name__ == "__main__":
    import jax
    _d = setup_inputs()
    print(jax.jit(kernel)(*tuple(_d.values())))

</pallas_src>

<mosaic_0001>
#map = affine_map<(d0, d1) -> (0, 0)>
#map1 = affine_map<(d0, d1) -> (0, 0, 0)>
module attributes {stable_mosaic.version = 14 : i64} {
  func.func @body(%arg0: i32, %arg1: i32, %arg2: memref<10000x128xf32, #tpu.memory_space<hbm>>, %arg3: memref<32x107x96xi32, #tpu.memory_space<hbm>>, %arg4: memref<32x107x96xi32, #tpu.memory_space<hbm>>, %arg5: memref<640x128xf32, #tpu.memory_space<hbm>>, %arg6: memref<2x10240x128xf32, #tpu.memory_space<hbm>>, %arg7: memref<107x96xi32, #tpu.memory_space<vmem>>, %arg8: memref<107x96xi32, #tpu.memory_space<vmem>>, %arg9: memref<96x128xf32, #tpu.memory_space<vmem>>, %arg10: memref<96x128xf32, #tpu.memory_space<vmem>>, %arg11: memref<10240x128xf32, #tpu.memory_space<vmem_shared>>, %arg12: memref<!tpu.dma_semaphore, #tpu.memory_space<semaphore_mem>>, %arg13: memref<!tpu.dma_semaphore, #tpu.memory_space<semaphore_mem>>) attributes {dimension_semantics = [#tpu.dimension_semantics<core_parallel>, #tpu.dimension_semantics<subcore_parallel>], iteration_bounds = array<i64: 2, 16>, scalar_prefetch = 0 : i64, scratch_operands = 7 : i64, tpu.core_type = #tpu.core_type<sc_vector_subcore>, window_params = [{transform_indices = #map}, {transform_indices = #map1}, {transform_indices = #map1}, {transform_indices = #map}, {transform_indices = #map1}]} {
    %mul3A = arith.constant 2 : i32
    %mul3A_0 = arith.muli %arg1, %mul3A : i32
    %add3A = arith.addi %mul3A_0, %arg0 : i32
    "tpu.region"() ({
      %run_scoped3A_48 = tpu.sem_alloc : memref<!tpu.dma_semaphore, #tpu.memory_space<semaphore_mem>>
      %dma_start3A_49 = arith.constant 0 : i32
      %dma_start3A_50 = arith.constant 0 : i32
      %dma_start3A_51 = tpu.memref_slice %arg3[%add3A, %dma_start3A_49, %dma_start3A_50] : memref<32x107x96xi32, #tpu.memory_space<hbm>> -> memref<1x107x96xi32, #tpu.memory_space<hbm>>
      %dma_start3A_52 = tpu.memref_squeeze %dma_start3A_51 : memref<1x107x96xi32, #tpu.memory_space<hbm>> -> memref<107x96xi32, #tpu.memory_space<hbm>>
      %dma_start3A_53 = arith.constant 0 : i32
      %dma_start3A_54 = arith.constant 0 : i32
      %dma_start3A_55 = tpu.memref_slice %arg3[%add3A, %dma_start3A_53, %dma_start3A_54] : memref<32x107x96xi32, #tpu.memory_space<hbm>> -> memref<1x107x96xi32, #tpu.memory_space<hbm>>
      %dma_start3A_56 = tpu.memref_squeeze %dma_start3A_55 : memref<1x107x96xi32, #tpu.memory_space<hbm>> -> memref<107x96xi32, #tpu.memory_space<hbm>>
      tpu.enqueue_dma source(%dma_start3A_56 : memref<107x96xi32, #tpu.memory_space<hbm>>) target(%arg7 : memref<107x96xi32, #tpu.memory_space<vmem>>) target_semaphore(%run_scoped3A_48 : memref<!tpu.dma_semaphore, #tpu.memory_space<semaphore_mem>>)
      %dma_wait3A_57 = arith.constant 0 : i32
      %dma_wait3A_58 = arith.constant 0 : i32
      %dma_wait3A_59 = tpu.memref_slice %arg3[%add3A, %dma_wait3A_57, %dma_wait3A_58] : memref<32x107x96xi32, #tpu.memory_space<hbm>> -> memref<1x107x96xi32, #tpu.memory_space<hbm>>
      %dma_wait3A_60 = tpu.memref_squeeze %dma_wait3A_59 : memref<1x107x96xi32, #tpu.memory_space<hbm>> -> memref<107x96xi32, #tpu.memory_space<hbm>>
      %dma_wait3A_61 = arith.constant 0 : i32
      %dma_wait3A_62 = arith.constant 0 : i32
      %dma_wait3A_63 = tpu.memref_slice %arg3[%add3A, %dma_wait3A_61, %dma_wait3A_62] : memref<32x107x96xi32, #tpu.memory_space<hbm>> -> memref<1x107x96xi32, #tpu.memory_space<hbm>>
      %dma_wait3A_64 = tpu.memref_squeeze %dma_wait3A_63 : memref<1x107x96xi32, #tpu.memory_space<hbm>> -> memref<107x96xi32, #tpu.memory_space<hbm>>
      tpu.wait_dma2 semaphore(%run_scoped3A_48 : memref<!tpu.dma_semaphore, #tpu.memory_space<semaphore_mem>>) src(%dma_wait3A_64 : memref<107x96xi32, #tpu.memory_space<hbm>>) dst(%arg7 : memref<107x96xi32, #tpu.memory_space<vmem>>)
      tpu.yield
    }) : () -> ()
    "tpu.region"() ({
      %run_scoped3A_48 = tpu.sem_alloc : memref<!tpu.dma_semaphore, #tpu.memory_space<semaphore_mem>>
      %dma_start3A_49 = arith.constant 0 : i32
      %dma_start3A_50 = arith.constant 0 : i32
      %dma_start3A_51 = tpu.memref_slice %arg4[%add3A, %dma_start3A_49, %dma_start3A_50] : memref<32x107x96xi32, #tpu.memory_space<hbm>> -> memref<1x107x96xi32, #tpu.memory_space<hbm>>
      %dma_start3A_52 = tpu.memref_squeeze %dma_start3A_51 : memref<1x107x96xi32, #tpu.memory_space<hbm>> -> memref<107x96xi32, #tpu.memory_space<hbm>>
      %dma_start3A_53 = arith.constant 0 : i32
      %dma_start3A_54 = arith.constant 0 : i32
      %dma_start3A_55 = tpu.memref_slice %arg4[%add3A, %dma_start3A_53, %dma_start3A_54] : memref<32x107x96xi32, #tpu.memory_space<hbm>> -> memref<1x107x96xi32, #tpu.memory_space<hbm>>
      %dma_start3A_56 = tpu.memref_squeeze %dma_start3A_55 : memref<1x107x96xi32, #tpu.memory_space<hbm>> -> memref<107x96xi32, #tpu.memory_space<hbm>>
      tpu.enqueue_dma source(%dma_start3A_56 : memref<107x96xi32, #tpu.memory_space<hbm>>) target(%arg8 : memref<107x96xi32, #tpu.memory_space<vmem>>) target_semaphore(%run_scoped3A_48 : memref<!tpu.dma_semaphore, #tpu.memory_space<semaphore_mem>>)
      %dma_wait3A_57 = arith.constant 0 : i32
      %dma_wait3A_58 = arith.constant 0 : i32
      %dma_wait3A_59 = tpu.memref_slice %arg4[%add3A, %dma_wait3A_57, %dma_wait3A_58] : memref<32x107x96xi32, #tpu.memory_space<hbm>> -> memref<1x107x96xi32, #tpu.memory_space<hbm>>
      %dma_wait3A_60 = tpu.memref_squeeze %dma_wait3A_59 : memref<1x107x96xi32, #tpu.memory_space<hbm>> -> memref<107x96xi32, #tpu.memory_space<hbm>>
      %dma_wait3A_61 = arith.constant 0 : i32
      %dma_wait3A_62 = arith.constant 0 : i32
      %dma_wait3A_63 = tpu.memref_slice %arg4[%add3A, %dma_wait3A_61, %dma_wait3A_62] : memref<32x107x96xi32, #tpu.memory_space<hbm>> -> memref<1x107x96xi32, #tpu.memory_space<hbm>>
      %dma_wait3A_64 = tpu.memref_squeeze %dma_wait3A_63 : memref<1x107x96xi32, #tpu.memory_space<hbm>> -> memref<107x96xi32, #tpu.memory_space<hbm>>
      tpu.wait_dma2 semaphore(%run_scoped3A_48 : memref<!tpu.dma_semaphore, #tpu.memory_space<semaphore_mem>>) src(%dma_wait3A_64 : memref<107x96xi32, #tpu.memory_space<hbm>>) dst(%arg8 : memref<107x96xi32, #tpu.memory_space<vmem>>)
      tpu.yield
    }) : () -> ()
    %mul3A_1 = arith.constant 640 : i32
    %mul3A_2 = arith.muli %arg1, %mul3A_1 : i32
    %dma_start3A = arith.constant 0 : i32
    %dma_start3A_3 = arith.constant 0 : i32
    %dma_start3A_4 = tpu.memref_slice %arg7[%dma_start3A, %dma_start3A_3] : memref<107x96xi32, #tpu.memory_space<vmem>> -> memref<1x96xi32, #tpu.memory_space<vmem>>
    %dma_start3A_5 = tpu.memref_squeeze %dma_start3A_4 : memref<1x96xi32, #tpu.memory_space<vmem>> -> memref<96xi32, #tpu.memory_space<vmem>>
    %dma_start3A_6 = arith.constant 0 : i32
    %dma_start3A_7 = arith.constant 0 : i32
    %dma_start3A_8 = tpu.memref_slice %arg2[%dma_start3A_6, %dma_start3A_7] : memref<10000x128xf32, #tpu.memory_space<hbm>> -> memref<10000x128xf32, #tpu.memory_space<hbm>>
    tpu.enqueue_indirect_dma source(%dma_start3A_8 : memref<10000x128xf32, #tpu.memory_space<hbm>>) target(%arg9 : memref<96x128xf32, #tpu.memory_space<vmem>>) offsets(%dma_start3A_5 : memref<96xi32, #tpu.memory_space<vmem>>) semaphore(%arg12 : memref<!tpu.dma_semaphore, #tpu.memory_space<semaphore_mem>>)
    %dma_start3A_9 = arith.constant 1 : i32
    %dma_start3A_10 = arith.constant 0 : i32
    %dma_start3A_11 = tpu.memref_slice %arg7[%dma_start3A_9, %dma_start3A_10] : memref<107x96xi32, #tpu.memory_space<vmem>> -> memref<1x96xi32, #tpu.memory_space<vmem>>
    %dma_start3A_12 = tpu.memref_squeeze %dma_start3A_11 : memref<1x96xi32, #tpu.memory_space<vmem>> -> memref<96xi32, #tpu.memory_space<vmem>>
    %dma_start3A_13 = arith.constant 0 : i32
    %dma_start3A_14 = arith.constant 0 : i32
    %dma_start3A_15 = tpu.memref_slice %arg2[%dma_start3A_13, %dma_start3A_14] : memref<10000x128xf32, #tpu.memory_space<hbm>> -> memref<10000x128xf32, #tpu.memory_space<hbm>>
    tpu.enqueue_indirect_dma source(%dma_start3A_15 : memref<10000x128xf32, #tpu.memory_space<hbm>>) target(%arg10 : memref<96x128xf32, #tpu.memory_space<vmem>>) offsets(%dma_start3A_12 : memref<96xi32, #tpu.memory_space<vmem>>) semaphore(%arg13 : memref<!tpu.dma_semaphore, #tpu.memory_space<semaphore_mem>>)
    "tpu.region"() ({
      %run_scoped3A_48 = tpu.sem_alloc : memref<!tpu.dma_semaphore, #tpu.memory_space<semaphore_mem>>
      %dma_start3A_49 = arith.constant 0 : i32
      %dma_start3A_50 = tpu.memref_slice %arg11[%mul3A_2, %dma_start3A_49] : memref<10240x128xf32, #tpu.memory_space<vmem_shared>> -> memref<640x128xf32, #tpu.memory_space<vmem_shared>>
      tpu.enqueue_dma source(%arg5 : memref<640x128xf32, #tpu.memory_space<hbm>>) target(%dma_start3A_50 : memref<640x128xf32, #tpu.memory_space<vmem_shared>>) target_semaphore(%run_scoped3A_48 : memref<!tpu.dma_semaphore, #tpu.memory_space<semaphore_mem>>)
      %dma_wait3A_51 = arith.constant 0 : i32
      %dma_wait3A_52 = tpu.memref_slice %arg11[%mul3A_2, %dma_wait3A_51] : memref<10240x128xf32, #tpu.memory_space<vmem_shared>> -> memref<640x128xf32, #tpu.memory_space<vmem_shared>>
      tpu.wait_dma2 semaphore(%run_scoped3A_48 : memref<!tpu.dma_semaphore, #tpu.memory_space<semaphore_mem>>) src(%arg5 : memref<640x128xf32, #tpu.memory_space<hbm>>) dst(%dma_wait3A_52 : memref<640x128xf32, #tpu.memory_space<vmem_shared>>)
      tpu.yield
    }) : () -> ()
    %barrier3A = arith.constant 0 : index
    tpu.barrier barrier_id(%barrier3A)
    %scan3A = arith.constant 0 : i32
    %scan3A_16 = arith.constant 0 : i32
    %scan3A_17 = arith.constant 52 : i32
    %scan3A_18 = arith.addi %scan3A_16, %scan3A_17 : i32
    %scan3A_19 = arith.constant 1 : i32
    scf.for %scan3A_48 = %scan3A_16 to %scan3A_18 step %scan3A_19  : i32 {
      %mul3A_49 = arith.constant 2 : i32
      %mul3A_50 = arith.muli %mul3A_49, %scan3A_48 : i32
      %dma_wait3A_51 = arith.constant 0 : i32
      %dma_wait3A_52 = arith.constant 0 : i32
      %dma_wait3A_53 = tpu.memref_slice %arg2[%dma_wait3A_51, %dma_wait3A_52] : memref<10000x128xf32, #tpu.memory_space<hbm>> -> memref<96x128xf32, #tpu.memory_space<hbm>>
      %dma_wait3A_54 = arith.constant 0 : i32
      %dma_wait3A_55 = arith.constant 0 : i32
      %dma_wait3A_56 = tpu.memref_slice %arg2[%dma_wait3A_54, %dma_wait3A_55] : memref<10000x128xf32, #tpu.memory_space<hbm>> -> memref<96x128xf32, #tpu.memory_space<hbm>>
      tpu.wait_dma2 semaphore(%arg12 : memref<!tpu.dma_semaphore, #tpu.memory_space<semaphore_mem>>) src(%dma_wait3A_56 : memref<96x128xf32, #tpu.memory_space<hbm>>) dst(%arg9 : memref<96x128xf32, #tpu.memory_space<vmem>>)
      "tpu.region"() ({
        %run_scoped3A_81 = tpu.sem_alloc : memref<!tpu.dma_semaphore, #tpu.memory_space<semaphore_mem>>
        %dma_start3A_82 = arith.constant 0 : i32
        %dma_start3A_83 = tpu.memref_slice %arg8[%mul3A_50, %dma_start3A_82] : memref<107x96xi32, #tpu.memory_space<vmem>> -> memref<1x96xi32, #tpu.memory_space<vmem>>
        %dma_start3A_84 = tpu.memref_squeeze %dma_start3A_83 : memref<1x96xi32, #tpu.memory_space<vmem>> -> memref<96xi32, #tpu.memory_space<vmem>>
        %dma_start3A_85 = arith.constant 0 : i32
        %dma_start3A_86 = arith.constant 0 : i32
        %dma_start3A_87 = tpu.memref_slice %arg11[%dma_start3A_85, %dma_start3A_86] : memref<10240x128xf32, #tpu.memory_space<vmem_shared>> -> memref<10240x128xf32, #tpu.memory_space<vmem_shared>>
        tpu.enqueue_indirect_dma source(%arg9 : memref<96x128xf32, #tpu.memory_space<vmem>>) target(%dma_start3A_87 : memref<10240x128xf32, #tpu.memory_space<vmem_shared>>) offsets(%dma_start3A_84 : memref<96xi32, #tpu.memory_space<vmem>>) semaphore(%run_scoped3A_81 : memref<!tpu.dma_semaphore, #tpu.memory_space<semaphore_mem>>) {add = true}
        %dma_wait3A_88 = arith.constant 0 : i32
        %dma_wait3A_89 = tpu.memref_slice %arg8[%mul3A_50, %dma_wait3A_88] : memref<107x96xi32, #tpu.memory_space<vmem>> -> memref<1x96xi32, #tpu.memory_space<vmem>>
        %dma_wait3A_90 = tpu.memref_squeeze %dma_wait3A_89 : memref<1x96xi32, #tpu.memory_space<vmem>> -> memref<96xi32, #tpu.memory_space<vmem>>
        %dma_wait3A_91 = arith.constant 0 : i32
        %dma_wait3A_92 = arith.constant 0 : i32
        %dma_wait3A_93 = tpu.memref_slice %arg11[%dma_wait3A_91, %dma_wait3A_92] : memref<10240x128xf32, #tpu.memory_space<vmem_shared>> -> memref<10240x128xf32, #tpu.memory_space<vmem_shared>>
        tpu.wait_indirect_dma semaphore(%run_scoped3A_81 : memref<!tpu.dma_semaphore, #tpu.memory_space<semaphore_mem>>) src(%arg9 : memref<96x128xf32, #tpu.memory_space<vmem>>) dst(%dma_wait3A_93 : memref<10240x128xf32, #tpu.memory_space<vmem_shared>>)
        tpu.yield
      }) : () -> ()
      %add3A_57 = arith.constant 2 : i32
      %add3A_58 = arith.addi %mul3A_50, %add3A_57 : i32
      %dma_start3A_59 = arith.constant 0 : i32
      %dma_start3A_60 = tpu.memref_slice %arg7[%add3A_58, %dma_start3A_59] : memref<107x96xi32, #tpu.memory_space<vmem>> -> memref<1x96xi32, #tpu.memory_space<vmem>>
      %dma_start3A_61 = tpu.memref_squeeze %dma_start3A_60 : memref<1x96xi32, #tpu.memory_space<vmem>> -> memref<96xi32, #tpu.memory_space<vmem>>
      %dma_start3A_62 = arith.constant 0 : i32
      %dma_start3A_63 = arith.constant 0 : i32
      %dma_start3A_64 = tpu.memref_slice %arg2[%dma_start3A_62, %dma_start3A_63] : memref<10000x128xf32, #tpu.memory_space<hbm>> -> memref<10000x128xf32, #tpu.memory_space<hbm>>
      tpu.enqueue_indirect_dma source(%dma_start3A_64 : memref<10000x128xf32, #tpu.memory_space<hbm>>) target(%arg9 : memref<96x128xf32, #tpu.memory_space<vmem>>) offsets(%dma_start3A_61 : memref<96xi32, #tpu.memory_space<vmem>>) semaphore(%arg12 : memref<!tpu.dma_semaphore, #tpu.memory_space<semaphore_mem>>)
      %dma_wait3A_65 = arith.constant 0 : i32
      %dma_wait3A_66 = arith.constant 0 : i32
      %dma_wait3A_67 = tpu.memref_slice %arg2[%dma_wait3A_65, %dma_wait3A_66] : memref<10000x128xf32, #tpu.memory_space<hbm>> -> memref<96x128xf32, #tpu.memory_space<hbm>>
      %dma_wait3A_68 = arith.constant 0 : i32
      %dma_wait3A_69 = arith.constant 0 : i32
      %dma_wait3A_70 = tpu.memref_slice %arg2[%dma_wait3A_68, %dma_wait3A_69] : memref<10000x128xf32, #tpu.memory_space<hbm>> -> memref<96x128xf32, #tpu.memory_space<hbm>>
      tpu.wait_dma2 semaphore(%arg13 : memref<!tpu.dma_semaphore, #tpu.memory_space<semaphore_mem>>) src(%dma_wait3A_70 : memref<96x128xf32, #tpu.memory_space<hbm>>) dst(%arg10 : memref<96x128xf32, #tpu.memory_space<vmem>>)
      %add3A_71 = arith.constant 1 : i32
      %add3A_72 = arith.addi %mul3A_50, %add3A_71 : i32
      "tpu.region"() ({
        %run_scoped3A_81 = tpu.sem_alloc : memref<!tpu.dma_semaphore, #tpu.memory_space<semaphore_mem>>
        %dma_start3A_82 = arith.constant 0 : i32
        %dma_start3A_83 = tpu.memref_slice %arg8[%add3A_72, %dma_start3A_82] : memref<107x96xi32, #tpu.memory_space<vmem>> -> memref<1x96xi32, #tpu.memory_space<vmem>>
        %dma_start3A_84 = tpu.memref_squeeze %dma_start3A_83 : memref<1x96xi32, #tpu.memory_space<vmem>> -> memref<96xi32, #tpu.memory_space<vmem>>
        %dma_start3A_85 = arith.constant 0 : i32
        %dma_start3A_86 = arith.constant 0 : i32
        %dma_start3A_87 = tpu.memref_slice %arg11[%dma_start3A_85, %dma_start3A_86] : memref<10240x128xf32, #tpu.memory_space<vmem_shared>> -> memref<10240x128xf32, #tpu.memory_space<vmem_shared>>
        tpu.enqueue_indirect_dma source(%arg10 : memref<96x128xf32, #tpu.memory_space<vmem>>) target(%dma_start3A_87 : memref<10240x128xf32, #tpu.memory_space<vmem_shared>>) offsets(%dma_start3A_84 : memref<96xi32, #tpu.memory_space<vmem>>) semaphore(%run_scoped3A_81 : memref<!tpu.dma_semaphore, #tpu.memory_space<semaphore_mem>>) {add = true}
        %dma_wait3A_88 = arith.constant 0 : i32
        %dma_wait3A_89 = tpu.memref_slice %arg8[%add3A_72, %dma_wait3A_88] : memref<107x96xi32, #tpu.memory_space<vmem>> -> memref<1x96xi32, #tpu.memory_space<vmem>>
        %dma_wait3A_90 = tpu.memref_squeeze %dma_wait3A_89 : memref<1x96xi32, #tpu.memory_space<vmem>> -> memref<96xi32, #tpu.memory_space<vmem>>
        %dma_wait3A_91 = arith.constant 0 : i32
        %dma_wait3A_92 = arith.constant 0 : i32
        %dma_wait3A_93 = tpu.memref_slice %arg11[%dma_wait3A_91, %dma_wait3A_92] : memref<10240x128xf32, #tpu.memory_space<vmem_shared>> -> memref<10240x128xf32, #tpu.memory_space<vmem_shared>>
        tpu.wait_indirect_dma semaphore(%run_scoped3A_81 : memref<!tpu.dma_semaphore, #tpu.memory_space<semaphore_mem>>) src(%arg10 : memref<96x128xf32, #tpu.memory_space<vmem>>) dst(%dma_wait3A_93 : memref<10240x128xf32, #tpu.memory_space<vmem_shared>>)
        tpu.yield
      }) : () -> ()
      %add3A_73 = arith.constant 3 : i32
      %add3A_74 = arith.addi %mul3A_50, %add3A_73 : i32
      %dma_start3A_75 = arith.constant 0 : i32
      %dma_start3A_76 = tpu.memref_slice %arg7[%add3A_74, %dma_start3A_75] : memref<107x96xi32, #tpu.memory_space<vmem>> -> memref<1x96xi32, #tpu.memory_space<vmem>>
      %dma_start3A_77 = tpu.memref_squeeze %dma_start3A_76 : memref<1x96xi32, #tpu.memory_space<vmem>> -> memref<96xi32, #tpu.memory_space<vmem>>
      %dma_start3A_78 = arith.constant 0 : i32
      %dma_start3A_79 = arith.constant 0 : i32
      %dma_start3A_80 = tpu.memref_slice %arg2[%dma_start3A_78, %dma_start3A_79] : memref<10000x128xf32, #tpu.memory_space<hbm>> -> memref<10000x128xf32, #tpu.memory_space<hbm>>
      tpu.enqueue_indirect_dma source(%dma_start3A_80 : memref<10000x128xf32, #tpu.memory_space<hbm>>) target(%arg10 : memref<96x128xf32, #tpu.memory_space<vmem>>) offsets(%dma_start3A_77 : memref<96xi32, #tpu.memory_space<vmem>>) semaphore(%arg13 : memref<!tpu.dma_semaphore, #tpu.memory_space<semaphore_mem>>)
    }
    %scan3A_20 = arith.constant 52 : i32
    %dma_wait3A = arith.constant 0 : i32
    %dma_wait3A_21 = arith.constant 0 : i32
    %dma_wait3A_22 = tpu.memref_slice %arg2[%dma_wait3A, %dma_wait3A_21] : memref<10000x128xf32, #tpu.memory_space<hbm>> -> memref<96x128xf32, #tpu.memory_space<hbm>>
    %dma_wait3A_23 = arith.constant 0 : i32
    %dma_wait3A_24 = arith.constant 0 : i32
    %dma_wait3A_25 = tpu.memref_slice %arg2[%dma_wait3A_23, %dma_wait3A_24] : memref<10000x128xf32, #tpu.memory_space<hbm>> -> memref<96x128xf32, #tpu.memory_space<hbm>>
    tpu.wait_dma2 semaphore(%arg12 : memref<!tpu.dma_semaphore, #tpu.memory_space<semaphore_mem>>) src(%dma_wait3A_25 : memref<96x128xf32, #tpu.memory_space<hbm>>) dst(%arg9 : memref<96x128xf32, #tpu.memory_space<vmem>>)
    %run_scoped3A = arith.constant 104 : i32
    "tpu.region"() ({
      %run_scoped3A_48 = tpu.sem_alloc : memref<!tpu.dma_semaphore, #tpu.memory_space<semaphore_mem>>
      %dma_start3A_49 = arith.constant 0 : i32
      %dma_start3A_50 = tpu.memref_slice %arg8[%run_scoped3A, %dma_start3A_49] : memref<107x96xi32, #tpu.memory_space<vmem>> -> memref<1x96xi32, #tpu.memory_space<vmem>>
      %dma_start3A_51 = tpu.memref_squeeze %dma_start3A_50 : memref<1x96xi32, #tpu.memory_space<vmem>> -> memref<96xi32, #tpu.memory_space<vmem>>
      %dma_start3A_52 = arith.constant 0 : i32
      %dma_start3A_53 = arith.constant 0 : i32
      %dma_start3A_54 = tpu.memref_slice %arg11[%dma_start3A_52, %dma_start3A_53] : memref<10240x128xf32, #tpu.memory_space<vmem_shared>> -> memref<10240x128xf32, #tpu.memory_space<vmem_shared>>
      tpu.enqueue_indirect_dma source(%arg9 : memref<96x128xf32, #tpu.memory_space<vmem>>) target(%dma_start3A_54 : memref<10240x128xf32, #tpu.memory_space<vmem_shared>>) offsets(%dma_start3A_51 : memref<96xi32, #tpu.memory_space<vmem>>) semaphore(%run_scoped3A_48 : memref<!tpu.dma_semaphore, #tpu.memory_space<semaphore_mem>>) {add = true}
      %dma_wait3A_55 = arith.constant 0 : i32
      %dma_wait3A_56 = tpu.memref_slice %arg8[%run_scoped3A, %dma_wait3A_55] : memref<107x96xi32, #tpu.memory_space<vmem>> -> memref<1x96xi32, #tpu.memory_space<vmem>>
      %dma_wait3A_57 = tpu.memref_squeeze %dma_wait3A_56 : memref<1x96xi32, #tpu.memory_space<vmem>> -> memref<96xi32, #tpu.memory_space<vmem>>
      %dma_wait3A_58 = arith.constant 0 : i32
      %dma_wait3A_59 = arith.constant 0 : i32
      %dma_wait3A_60 = tpu.memref_slice %arg11[%dma_wait3A_58, %dma_wait3A_59] : memref<10240x128xf32, #tpu.memory_space<vmem_shared>> -> memref<10240x128xf32, #tpu.memory_space<vmem_shared>>
      tpu.wait_indirect_dma semaphore(%run_scoped3A_48 : memref<!tpu.dma_semaphore, #tpu.memory_space<semaphore_mem>>) src(%arg9 : memref<96x128xf32, #tpu.memory_space<vmem>>) dst(%dma_wait3A_60 : memref<10240x128xf32, #tpu.memory_space<vmem_shared>>)
      tpu.yield
    }) : () -> ()
    %dma_start3A_26 = arith.constant 106 : i32
    %dma_start3A_27 = arith.constant 0 : i32
    %dma_start3A_28 = tpu.memref_slice %arg7[%dma_start3A_26, %dma_start3A_27] : memref<107x96xi32, #tpu.memory_space<vmem>> -> memref<1x96xi32, #tpu.memory_space<vmem>>
    %dma_start3A_29 = tpu.memref_squeeze %dma_start3A_28 : memref<1x96xi32, #tpu.memory_space<vmem>> -> memref<96xi32, #tpu.memory_space<vmem>>
    %dma_start3A_30 = arith.constant 0 : i32
    %dma_start3A_31 = arith.constant 0 : i32
    %dma_start3A_32 = tpu.memref_slice %arg2[%dma_start3A_30, %dma_start3A_31] : memref<10000x128xf32, #tpu.memory_space<hbm>> -> memref<10000x128xf32, #tpu.memory_space<hbm>>
    tpu.enqueue_indirect_dma source(%dma_start3A_32 : memref<10000x128xf32, #tpu.memory_space<hbm>>) target(%arg9 : memref<96x128xf32, #tpu.memory_space<vmem>>) offsets(%dma_start3A_29 : memref<96xi32, #tpu.memory_space<vmem>>) semaphore(%arg12 : memref<!tpu.dma_semaphore, #tpu.memory_space<semaphore_mem>>)
    %dma_wait3A_33 = arith.constant 0 : i32
    %dma_wait3A_34 = arith.constant 0 : i32
    %dma_wait3A_35 = tpu.memref_slice %arg2[%dma_wait3A_33, %dma_wait3A_34] : memref<10000x128xf32, #tpu.memory_space<hbm>> -> memref<96x128xf32, #tpu.memory_space<hbm>>
    %dma_wait3A_36 = arith.constant 0 : i32
    %dma_wait3A_37 = arith.constant 0 : i32
    %dma_wait3A_38 = tpu.memref_slice %arg2[%dma_wait3A_36, %dma_wait3A_37] : memref<10000x128xf32, #tpu.memory_space<hbm>> -> memref<96x128xf32, #tpu.memory_space<hbm>>
    tpu.wait_dma2 semaphore(%arg13 : memref<!tpu.dma_semaphore, #tpu.memory_space<semaphore_mem>>) src(%dma_wait3A_38 : memref<96x128xf32, #tpu.memory_space<hbm>>) dst(%arg10 : memref<96x128xf32, #tpu.memory_space<vmem>>)
    %run_scoped3A_39 = arith.constant 105 : i32
    "tpu.region"() ({
      %run_scoped3A_48 = tpu.sem_alloc : memref<!tpu.dma_semaphore, #tpu.memory_space<semaphore_mem>>
      %dma_start3A_49 = arith.constant 0 : i32
      %dma_start3A_50 = tpu.memref_slice %arg8[%run_scoped3A_39, %dma_start3A_49] : memref<107x96xi32, #tpu.memory_space<vmem>> -> memref<1x96xi32, #tpu.memory_space<vmem>>
      %dma_start3A_51 = tpu.memref_squeeze %dma_start3A_50 : memref<1x96xi32, #tpu.memory_space<vmem>> -> memref<96xi32, #tpu.memory_space<vmem>>
      %dma_start3A_52 = arith.constant 0 : i32
      %dma_start3A_53 = arith.constant 0 : i32
      %dma_start3A_54 = tpu.memref_slice %arg11[%dma_start3A_52, %dma_start3A_53] : memref<10240x128xf32, #tpu.memory_space<vmem_shared>> -> memref<10240x128xf32, #tpu.memory_space<vmem_shared>>
      tpu.enqueue_indirect_dma source(%arg10 : memref<96x128xf32, #tpu.memory_space<vmem>>) target(%dma_start3A_54 : memref<10240x128xf32, #tpu.memory_space<vmem_shared>>) offsets(%dma_start3A_51 : memref<96xi32, #tpu.memory_space<vmem>>) semaphore(%run_scoped3A_48 : memref<!tpu.dma_semaphore, #tpu.memory_space<semaphore_mem>>) {add = true}
      %dma_wait3A_55 = arith.constant 0 : i32
      %dma_wait3A_56 = tpu.memref_slice %arg8[%run_scoped3A_39, %dma_wait3A_55] : memref<107x96xi32, #tpu.memory_space<vmem>> -> memref<1x96xi32, #tpu.memory_space<vmem>>
      %dma_wait3A_57 = tpu.memref_squeeze %dma_wait3A_56 : memref<1x96xi32, #tpu.memory_space<vmem>> -> memref<96xi32, #tpu.memory_space<vmem>>
      %dma_wait3A_58 = arith.constant 0 : i32
      %dma_wait3A_59 = arith.constant 0 : i32
      %dma_wait3A_60 = tpu.memref_slice %arg11[%dma_wait3A_58, %dma_wait3A_59] : memref<10240x128xf32, #tpu.memory_space<vmem_shared>> -> memref<10240x128xf32, #tpu.memory_space<vmem_shared>>
      tpu.wait_indirect_dma semaphore(%run_scoped3A_48 : memref<!tpu.dma_semaphore, #tpu.memory_space<semaphore_mem>>) src(%arg10 : memref<96x128xf32, #tpu.memory_space<vmem>>) dst(%dma_wait3A_60 : memref<10240x128xf32, #tpu.memory_space<vmem_shared>>)
      tpu.yield
    }) : () -> ()
    %dma_wait3A_40 = arith.constant 0 : i32
    %dma_wait3A_41 = arith.constant 0 : i32
    %dma_wait3A_42 = tpu.memref_slice %arg2[%dma_wait3A_40, %dma_wait3A_41] : memref<10000x128xf32, #tpu.memory_space<hbm>> -> memref<96x128xf32, #tpu.memory_space<hbm>>
    %dma_wait3A_43 = arith.constant 0 : i32
    %dma_wait3A_44 = arith.constant 0 : i32
    %dma_wait3A_45 = tpu.memref_slice %arg2[%dma_wait3A_43, %dma_wait3A_44] : memref<10000x128xf32, #tpu.memory_space<hbm>> -> memref<96x128xf32, #tpu.memory_space<hbm>>
    tpu.wait_dma2 semaphore(%arg12 : memref<!tpu.dma_semaphore, #tpu.memory_space<semaphore_mem>>) src(%dma_wait3A_45 : memref<96x128xf32, #tpu.memory_space<hbm>>) dst(%arg9 : memref<96x128xf32, #tpu.memory_space<vmem>>)
    %run_scoped3A_46 = arith.constant 106 : i32
    "tpu.region"() ({
      %run_scoped3A_48 = tpu.sem_alloc : memref<!tpu.dma_semaphore, #tpu.memory_space<semaphore_mem>>
      %dma_start3A_49 = arith.constant 0 : i32
      %dma_start3A_50 = tpu.memref_slice %arg8[%run_scoped3A_46, %dma_start3A_49] : memref<107x96xi32, #tpu.memory_space<vmem>> -> memref<1x96xi32, #tpu.memory_space<vmem>>
      %dma_start3A_51 = tpu.memref_squeeze %dma_start3A_50 : memref<1x96xi32, #tpu.memory_space<vmem>> -> memref<96xi32, #tpu.memory_space<vmem>>
      %dma_start3A_52 = arith.constant 0 : i32
      %dma_start3A_53 = arith.constant 0 : i32
      %dma_start3A_54 = tpu.memref_slice %arg11[%dma_start3A_52, %dma_start3A_53] : memref<10240x128xf32, #tpu.memory_space<vmem_shared>> -> memref<10240x128xf32, #tpu.memory_space<vmem_shared>>
      tpu.enqueue_indirect_dma source(%arg9 : memref<96x128xf32, #tpu.memory_space<vmem>>) target(%dma_start3A_54 : memref<10240x128xf32, #tpu.memory_space<vmem_shared>>) offsets(%dma_start3A_51 : memref<96xi32, #tpu.memory_space<vmem>>) semaphore(%run_scoped3A_48 : memref<!tpu.dma_semaphore, #tpu.memory_space<semaphore_mem>>) {add = true}
      %dma_wait3A_55 = arith.constant 0 : i32
      %dma_wait3A_56 = tpu.memref_slice %arg8[%run_scoped3A_46, %dma_wait3A_55] : memref<107x96xi32, #tpu.memory_space<vmem>> -> memref<1x96xi32, #tpu.memory_space<vmem>>
      %dma_wait3A_57 = tpu.memref_squeeze %dma_wait3A_56 : memref<1x96xi32, #tpu.memory_space<vmem>> -> memref<96xi32, #tpu.memory_space<vmem>>
      %dma_wait3A_58 = arith.constant 0 : i32
      %dma_wait3A_59 = arith.constant 0 : i32
      %dma_wait3A_60 = tpu.memref_slice %arg11[%dma_wait3A_58, %dma_wait3A_59] : memref<10240x128xf32, #tpu.memory_space<vmem_shared>> -> memref<10240x128xf32, #tpu.memory_space<vmem_shared>>
      tpu.wait_indirect_dma semaphore(%run_scoped3A_48 : memref<!tpu.dma_semaphore, #tpu.memory_space<semaphore_mem>>) src(%arg9 : memref<96x128xf32, #tpu.memory_space<vmem>>) dst(%dma_wait3A_60 : memref<10240x128xf32, #tpu.memory_space<vmem_shared>>)
      tpu.yield
    }) : () -> ()
    %barrier3A_47 = arith.constant 0 : index
    tpu.barrier barrier_id(%barrier3A_47)
    "tpu.region"() ({
      %run_scoped3A_48 = tpu.sem_alloc : memref<!tpu.dma_semaphore, #tpu.memory_space<semaphore_mem>>
      %dma_start3A_49 = arith.constant 0 : i32
      %dma_start3A_50 = tpu.memref_slice %arg6[%arg0, %mul3A_2, %dma_start3A_49] : memref<2x10240x128xf32, #tpu.memory_space<hbm>> -> memref<1x640x128xf32, #tpu.memory_space<hbm>>
      %dma_start3A_51 = tpu.memref_squeeze %dma_start3A_50 : memref<1x640x128xf32, #tpu.memory_space<hbm>> -> memref<640x128xf32, #tpu.memory_space<hbm>>
      %dma_start3A_52 = arith.constant 0 : i32
      %dma_start3A_53 = tpu.memref_slice %arg11[%mul3A_2, %dma_start3A_52] : memref<10240x128xf32, #tpu.memory_space<vmem_shared>> -> memref<640x128xf32, #tpu.memory_space<vmem_shared>>
      tpu.enqueue_dma source(%dma_start3A_53 : memref<640x128xf32, #tpu.memory_space<vmem_shared>>) target(%dma_start3A_51 : memref<640x128xf32, #tpu.memory_space<hbm>>) target_semaphore(%run_scoped3A_48 : memref<!tpu.dma_semaphore, #tpu.memory_space<semaphore_mem>>)
      %dma_wait3A_54 = arith.constant 0 : i32
      %dma_wait3A_55 = tpu.memref_slice %arg6[%arg0, %mul3A_2, %dma_wait3A_54] : memref<2x10240x128xf32, #tpu.memory_space<hbm>> -> memref<1x640x128xf32, #tpu.memory_space<hbm>>
      %dma_wait3A_56 = tpu.memref_squeeze %dma_wait3A_55 : memref<1x640x128xf32, #tpu.memory_space<hbm>> -> memref<640x128xf32, #tpu.memory_space<hbm>>
      %dma_wait3A_57 = arith.constant 0 : i32
      %dma_wait3A_58 = tpu.memref_slice %arg11[%mul3A_2, %dma_wait3A_57] : memref<10240x128xf32, #tpu.memory_space<vmem_shared>> -> memref<640x128xf32, #tpu.memory_space<vmem_shared>>
      tpu.wait_dma2 semaphore(%run_scoped3A_48 : memref<!tpu.dma_semaphore, #tpu.memory_space<semaphore_mem>>) src(%dma_wait3A_58 : memref<640x128xf32, #tpu.memory_space<vmem_shared>>) dst(%dma_wait3A_56 : memref<640x128xf32, #tpu.memory_space<hbm>>)
      tpu.yield
    }) : () -> ()
    return
  }
}

module attributes {stable_mosaic.version = 14 : i64} {
  func.func @_dgru_block(%arg0: i32, %arg1: memref<2x2000x128xf32, #tpu.memory_space<vmem>>, %arg2: memref<2000x128xf32, #tpu.memory_space<vmem>>, %arg3: memref<256x640xf32, #tpu.memory_space<vmem>>, %arg4: memref<1x640xf32, #tpu.memory_space<vmem>>, %arg5: memref<256x128xf32, #tpu.memory_space<vmem>>, %arg6: memref<1x128xf32, #tpu.memory_space<vmem>>, %arg7: memref<1x256xf32, #tpu.memory_space<vmem>>, %arg8: memref<1x256xf32, #tpu.memory_space<vmem>>, %arg9: memref<1x256xf32, #tpu.memory_space<vmem>>, %arg10: memref<1x256xf32, #tpu.memory_space<vmem>>, %arg11: memref<2000x128xf32, #tpu.memory_space<vmem>>) attributes {dimension_semantics = [#tpu.dimension_semantics<arbitrary>], iteration_bounds = array<i64: 5>, scalar_prefetch = 0 : i64, scratch_operands = 0 : i64, tpu.core_type = #tpu.core_type<tc>, window_params = [{transform_indices = @transform_0, window_bounds = array<i64: 2, 2000, 128>}, {transform_indices = @transform_1, window_bounds = array<i64: 2000, 128>}, {pipeline_mode = #tpu.pipeline_mode<synchronous>, transform_indices = @transform_2, window_bounds = array<i64: 256, 640>}, {pipeline_mode = #tpu.pipeline_mode<synchronous>, transform_indices = @transform_3, window_bounds = array<i64: 1, 640>}, {pipeline_mode = #tpu.pipeline_mode<synchronous>, transform_indices = @transform_4, window_bounds = array<i64: 256, 128>}, {pipeline_mode = #tpu.pipeline_mode<synchronous>, transform_indices = @transform_5, window_bounds = array<i64: 1, 128>}, {pipeline_mode = #tpu.pipeline_mode<synchronous>, transform_indices = @transform_6, window_bounds = array<i64: 1, 256>}, {pipeline_mode = #tpu.pipeline_mode<synchronous>, transform_indices = @transform_7, window_bounds = array<i64: 1, 256>}, {pipeline_mode = #tpu.pipeline_mode<synchronous>, transform_indices = @transform_8, window_bounds = array<i64: 1, 256>}, {pipeline_mode = #tpu.pipeline_mode<synchronous>, transform_indices = @transform_9, window_bounds = array<i64: 1, 256>}, {transform_indices = @transform_10, window_bounds = array<i64: 2000, 128>}]} {
    %get3A = arith.constant 0 : index
    %get3A_0 = arith.constant 0 : index
    %get3A_1 = arith.constant 0 : index
    %get3A_2 = vector.load %arg1[%get3A, %get3A_0, %get3A_1] : memref<2x2000x128xf32, #tpu.memory_space<vmem>>, vector<1x2000x128xf32>
    %get3A_3 = vector.shape_cast %get3A_2 : vector<1x2000x128xf32> to vector<2000x128xf32>
    %get3A_4 = arith.constant 1 : index
    %get3A_5 = arith.constant 0 : index
    %get3A_6 = arith.constant 0 : index
    %get3A_7 = vector.load %arg1[%get3A_4, %get3A_5, %get3A_6] : memref<2x2000x128xf32, #tpu.memory_space<vmem>>, vector<1x2000x128xf32>
    %get3A_8 = vector.shape_cast %get3A_7 : vector<1x2000x128xf32> to vector<2000x128xf32>
    %add3A = arith.addf %get3A_3, %get3A_8 : vector<2000x128xf32>
    %get3A_9 = arith.constant 0 : index
    %get3A_10 = arith.constant 0 : index
    %get3A_11 = vector.load %arg2[%get3A_9, %get3A_10] : memref<2000x128xf32, #tpu.memory_space<vmem>>, vector<2000x128xf32>
    %concatenate3A = tpu.concatenate %add3A, %get3A_11 in 1 : vector<2000x128xf32>, vector<2000x128xf32> -> vector<2000x256xf32>
    %reduce_sum3A = arith.constant dense<0.000000e+00> : vector<2000xf32>
    %reduce_sum3A_12 = vector.multi_reduction <add>, %concatenate3A, %reduce_sum3A [1] : vector<2000x256xf32> to vector<2000xf32>
    %broadcast_in_dim3A = vector.shape_cast %reduce_sum3A_12 : vector<2000xf32> to vector<2000x1xf32>
    %div3A = arith.constant 2.560000e+02 : f32
    %div3A_13 = vector.broadcast %div3A : f32 to vector<2000x1xf32>
    %div3A_14 = arith.divf %broadcast_in_dim3A, %div3A_13 : vector<2000x1xf32>
    %sub3A = vector.broadcast %div3A_14 : vector<2000x1xf32> to vector<2000x256xf32>
    %sub3A_15 = arith.subf %concatenate3A, %sub3A : vector<2000x256xf32>
    %mul3A = arith.mulf %sub3A_15, %sub3A_15 : vector<2000x256xf32>
    %reduce_sum3A_16 = arith.constant dense<0.000000e+00> : vector<2000xf32>
    %reduce_sum3A_17 = vector.multi_reduction <add>, %mul3A, %reduce_sum3A_16 [1] : vector<2000x256xf32> to vector<2000xf32>
    %broadcast_in_dim3A_18 = vector.shape_cast %reduce_sum3A_17 : vector<2000xf32> to vector<2000x1xf32>
    %div3A_19 = arith.constant 2.560000e+02 : f32
    %div3A_20 = vector.broadcast %div3A_19 : f32 to vector<2000x1xf32>
    %div3A_21 = arith.divf %broadcast_in_dim3A_18, %div3A_20 : vector<2000x1xf32>
    %add3A_22 = arith.constant 9.99999974E-6 : f32
    %add3A_23 = vector.broadcast %add3A_22 : f32 to vector<2000x1xf32>
    %add3A_24 = arith.addf %div3A_21, %add3A_23 : vector<2000x1xf32>
    %rsqrt3A = math.rsqrt %add3A_24 : vector<2000x1xf32>
    %mul3A_25 = vector.broadcast %rsqrt3A : vector<2000x1xf32> to vector<2000x256xf32>
    %mul3A_26 = arith.mulf %sub3A_15, %mul3A_25 : vector<2000x256xf32>
    %get3A_27 = arith.constant 0 : index
    %get3A_28 = arith.constant 0 : index
    %get3A_29 = vector.load %arg7[%get3A_27, %get3A_28] : memref<1x256xf32, #tpu.memory_space<vmem>>, vector<1x256xf32>
    %mul3A_30 = vector.broadcast %get3A_29 : vector<1x256xf32> to vector<2000x256xf32>
    %mul3A_31 = arith.mulf %mul3A_26, %mul3A_30 : vector<2000x256xf32>
    %get3A_32 = arith.constant 0 : index
    %get3A_33 = arith.constant 0 : index
    %get3A_34 = vector.load %arg8[%get3A_32, %get3A_33] : memref<1x256xf32, #tpu.memory_space<vmem>>, vector<1x256xf32>
    %add3A_35 = vector.broadcast %get3A_34 : vector<1x256xf32> to vector<2000x256xf32>
    %add3A_36 = arith.addf %mul3A_31, %add3A_35 : vector<2000x256xf32>
    %get3A_37 = arith.constant 0 : index
    %get3A_38 = arith.constant 0 : index
    %get3A_39 = vector.load %arg3[%get3A_37, %get3A_38] : memref<256x640xf32, #tpu.memory_space<vmem>>, vector<256x640xf32>
    %dot_general3A = arith.constant dense<0.000000e+00> : vector<2000x640xf32>
    %dot_general3A_40 = tpu.matmul %add3A_36, %get3A_39, %dot_general3A {dimension_numbers = #tpu.dot_dimension_numbers<[1], [0], [0], [1], [0, 0, 1, 1], [], []>, transpose_lhs_hint = false} : vector<2000x256xf32>, vector<256x640xf32>, vector<2000x640xf32> -> vector<2000x640xf32>
    %get3A_41 = arith.constant 0 : index
    %get3A_42 = arith.constant 0 : index
    %get3A_43 = vector.load %arg4[%get3A_41, %get3A_42] : memref<1x640xf32, #tpu.memory_space<vmem>>, vector<1x640xf32>
    %add3A_44 = vector.broadcast %get3A_43 : vector<1x640xf32> to vector<2000x640xf32>
    %add3A_45 = arith.addf %dot_general3A_40, %add3A_44 : vector<2000x640xf32>
    %slice3A = vector.extract_strided_slice %add3A_45 {offsets = [0, 0], sizes = [2000, 128], strides = [1, 1]} : vector<2000x640xf32> to vector<2000x128xf32>
    %slice3A_46 = vector.extract_strided_slice %add3A_45 {offsets = [0, 128], sizes = [2000, 128], strides = [1, 1]} : vector<2000x640xf32> to vector<2000x128xf32>
    %slice3A_47 = vector.extract_strided_slice %add3A_45 {offsets = [0, 256], sizes = [2000, 128], strides = [1, 1]} : vector<2000x640xf32> to vector<2000x128xf32>
    %slice3A_48 = vector.extract_strided_slice %add3A_45 {offsets = [0, 384], sizes = [2000, 128], strides = [1, 1]} : vector<2000x640xf32> to vector<2000x128xf32>
    %slice3A_49 = vector.extract_strided_slice %add3A_45 {offsets = [0, 512], sizes = [2000, 128], strides = [1, 1]} : vector<2000x640xf32> to vector<2000x128xf32>
    %logistic3A = arith.negf %slice3A : vector<2000x128xf32>
    %logistic3A_50 = math.exp %logistic3A : vector<2000x128xf32>
    %logistic3A_51 = arith.constant 1.000000e+00 : f32
    %logistic3A_52 = vector.broadcast %logistic3A_51 : f32 to vector<2000x128xf32>
    %logistic3A_53 = arith.addf %logistic3A_52, %logistic3A_50 : vector<2000x128xf32>
    %logistic3A_54 = arith.divf %logistic3A_52, %logistic3A_53 : vector<2000x128xf32>
    %logistic3A_55 = arith.negf %slice3A_46 : vector<2000x128xf32>
    %logistic3A_56 = math.exp %logistic3A_55 : vector<2000x128xf32>
    %logistic3A_57 = arith.constant 1.000000e+00 : f32
    %logistic3A_58 = vector.broadcast %logistic3A_57 : f32 to vector<2000x128xf32>
    %logistic3A_59 = arith.addf %logistic3A_58, %logistic3A_56 : vector<2000x128xf32>
    %logistic3A_60 = arith.divf %logistic3A_58, %logistic3A_59 : vector<2000x128xf32>
    %max3A = arith.maximumf %slice3A_47, %slice3A_48 : vector<2000x128xf32>
    %max3A_61 = arith.maximumf %max3A, %slice3A_49 : vector<2000x128xf32>
    %sub3A_62 = arith.subf %slice3A_47, %max3A_61 : vector<2000x128xf32>
    %exp3A = math.exp %sub3A_62 : vector<2000x128xf32>
    %sub3A_63 = arith.subf %slice3A_48, %max3A_61 : vector<2000x128xf32>
    %exp3A_64 = math.exp %sub3A_63 : vector<2000x128xf32>
    %sub3A_65 = arith.subf %slice3A_49, %max3A_61 : vector<2000x128xf32>
    %exp3A_66 = math.exp %sub3A_65 : vector<2000x128xf32>
    %add3A_67 = arith.addf %exp3A, %exp3A_64 : vector<2000x128xf32>
    %add3A_68 = arith.addf %add3A_67, %exp3A_66 : vector<2000x128xf32>
    %mul3A_69 = arith.mulf %add3A, %logistic3A_54 : vector<2000x128xf32>
    %mul3A_70 = arith.mulf %get3A_11, %logistic3A_60 : vector<2000x128xf32>
    %concatenate3A_71 = tpu.concatenate %mul3A_69, %mul3A_70 in 1 : vector<2000x128xf32>, vector<2000x128xf32> -> vector<2000x256xf32>
    %reduce_sum3A_72 = arith.constant dense<0.000000e+00> : vector<2000xf32>
    %reduce_sum3A_73 = vector.multi_reduction <add>, %concatenate3A_71, %reduce_sum3A_72 [1] : vector<2000x256xf32> to vector<2000xf32>
    %broadcast_in_dim3A_74 = vector.shape_cast %reduce_sum3A_73 : vector<2000xf32> to vector<2000x1xf32>
    %div3A_75 = arith.constant 2.560000e+02 : f32
    %div3A_76 = vector.broadcast %div3A_75 : f32 to vector<2000x1xf32>
    %div3A_77 = arith.divf %broadcast_in_dim3A_74, %div3A_76 : vector<2000x1xf32>
    %sub3A_78 = vector.broadcast %div3A_77 : vector<2000x1xf32> to vector<2000x256xf32>
    %sub3A_79 = arith.subf %concatenate3A_71, %sub3A_78 : vector<2000x256xf32>
    %mul3A_80 = arith.mulf %sub3A_79, %sub3A_79 : vector<2000x256xf32>
    %reduce_sum3A_81 = arith.constant dense<0.000000e+00> : vector<2000xf32>
    %reduce_sum3A_82 = vector.multi_reduction <add>, %mul3A_80, %reduce_sum3A_81 [1] : vector<2000x256xf32> to vector<2000xf32>
    %broadcast_in_dim3A_83 = vector.shape_cast %reduce_sum3A_82 : vector<2000xf32> to vector<2000x1xf32>
    %div3A_84 = arith.constant 2.560000e+02 : f32
    %div3A_85 = vector.broadcast %div3A_84 : f32 to vector<2000x1xf32>
    %div3A_86 = arith.divf %broadcast_in_dim3A_83, %div3A_85 : vector<2000x1xf32>
    %add3A_87 = arith.constant 9.99999974E-6 : f32
    %add3A_88 = vector.broadcast %add3A_87 : f32 to vector<2000x1xf32>
    %add3A_89 = arith.addf %div3A_86, %add3A_88 : vector<2000x1xf32>
    %rsqrt3A_90 = math.rsqrt %add3A_89 : vector<2000x1xf32>
    %mul3A_91 = vector.broadcast %rsqrt3A_90 : vector<2000x1xf32> to vector<2000x256xf32>
    %mul3A_92 = arith.mulf %sub3A_79, %mul3A_91 : vector<2000x256xf32>
    %get3A_93 = arith.constant 0 : index
    %get3A_94 = arith.constant 0 : index
    %get3A_95 = vector.load %arg9[%get3A_93, %get3A_94] : memref<1x256xf32, #tpu.memory_space<vmem>>, vector<1x256xf32>
    %mul3A_96 = vector.broadcast %get3A_95 : vector<1x256xf32> to vector<2000x256xf32>
    %mul3A_97 = arith.mulf %mul3A_92, %mul3A_96 : vector<2000x256xf32>
    %get3A_98 = arith.constant 0 : index
    %get3A_99 = arith.constant 0 : index
    %get3A_100 = vector.load %arg10[%get3A_98, %get3A_99] : memref<1x256xf32, #tpu.memory_space<vmem>>, vector<1x256xf32>
    %add3A_101 = vector.broadcast %get3A_100 : vector<1x256xf32> to vector<2000x256xf32>
    %add3A_102 = arith.addf %mul3A_97, %add3A_101 : vector<2000x256xf32>
    %get3A_103 = arith.constant 0 : index
    %get3A_104 = arith.constant 0 : index
    %get3A_105 = vector.load %arg5[%get3A_103, %get3A_104] : memref<256x128xf32, #tpu.memory_space<vmem>>, vector<256x128xf32>
    %dot_general3A_106 = arith.constant dense<0.000000e+00> : vector<2000x128xf32>
    %dot_general3A_107 = tpu.matmul %add3A_102, %get3A_105, %dot_general3A_106 {dimension_numbers = #tpu.dot_dimension_numbers<[1], [0], [0], [1], [0, 0, 1, 1], [], []>, transpose_lhs_hint = false} : vector<2000x256xf32>, vector<256x128xf32>, vector<2000x128xf32> -> vector<2000x128xf32>
    %get3A_108 = arith.constant 0 : index
    %get3A_109 = arith.constant 0 : index
    %get3A_110 = vector.load %arg6[%get3A_108, %get3A_109] : memref<1x128xf32, #tpu.memory_space<vmem>>, vector<1x128xf32>
    %add3A_111 = vector.broadcast %get3A_110 : vector<1x128xf32> to vector<2000x128xf32>
    %add3A_112 = arith.addf %dot_general3A_107, %add3A_111 : vector<2000x128xf32>
    %tanh3A = math.tanh %add3A_112 : vector<2000x128xf32>
    %mul3A_113 = arith.mulf %add3A, %exp3A : vector<2000x128xf32>
    %mul3A_114 = arith.mulf %get3A_11, %exp3A_64 : vector<2000x128xf32>
    %add3A_115 = arith.addf %mul3A_113, %mul3A_114 : vector<2000x128xf32>
    %mul3A_116 = arith.mulf %tanh3A, %exp3A_66 : vector<2000x128xf32>
    %add3A_117 = arith.addf %add3A_115, %mul3A_116 : vector<2000x128xf32>
    %div3A_118 = arith.divf %add3A_117, %add3A_68 : vector<2000x128xf32>
    %swap3A = arith.constant 0 : index
    %swap3A_119 = arith.constant 0 : index
    %swap3A_120 = vector.load %arg11[%swap3A, %swap3A_119] : memref<2000x128xf32, #tpu.memory_space<vmem>>, vector<2000x128xf32>
    tpu.vector_store %arg11[%swap3A, %swap3A_119], %div3A_118 {strides = array<i32>} : memref<2000x128xf32, #tpu.memory_space<vmem>>, vector<2000x128xf32>,
    return
  }
  func.func @transform_0(%arg0: i32) -> (i32, i32, i32) {
    %c0_i32 = arith.constant 0 : i32
    %c0_i32_0 = arith.constant 0 : i32
    %c0_i32_1 = arith.constant 0 : i32
    return %c0_i32, %arg0, %c0_i32_0 : i32, i32, i32
  }
  func.func @transform_1(%arg0: i32) -> (i32, i32) {
    %c0_i32 = arith.constant 0 : i32
    %c0_i32_0 = arith.constant 0 : i32
    return %arg0, %c0_i32 : i32, i32
  }
  func.func @transform_2(%arg0: i32) -> (i32, i32) {
    %c0_i32 = arith.constant 0 : i32
    %c0_i32_0 = arith.constant 0 : i32
    %c0_i32_1 = arith.constant 0 : i32
    return %c0_i32, %c0_i32_0 : i32, i32
  }
  func.func @transform_3(%arg0: i32) -> (i32, i32) {
    %c0_i32 = arith.constant 0 : i32
    %c0_i32_0 = arith.constant 0 : i32
    %c0_i32_1 = arith.constant 0 : i32
    return %c0_i32, %c0_i32_0 : i32, i32
  }
  func.func @transform_4(%arg0: i32) -> (i32, i32) {
    %c0_i32 = arith.constant 0 : i32
    %c0_i32_0 = arith.constant 0 : i32
    %c0_i32_1 = arith.constant 0 : i32
    return %c0_i32, %c0_i32_0 : i32, i32
  }
  func.func @transform_5(%arg0: i32) -> (i32, i32) {
    %c0_i32 = arith.constant 0 : i32
    %c0_i32_0 = arith.constant 0 : i32
    %c0_i32_1 = arith.constant 0 : i32
    return %c0_i32, %c0_i32_0 : i32, i32
  }
  func.func @transform_6(%arg0: i32) -> (i32, i32) {
    %c0_i32 = arith.constant 0 : i32
    %c0_i32_0 = arith.constant 0 : i32
    %c0_i32_1 = arith.constant 0 : i32
    return %c0_i32, %c0_i32_0 : i32, i32
  }
  func.func @transform_7(%arg0: i32) -> (i32, i32) {
    %c0_i32 = arith.constant 0 : i32
    %c0_i32_0 = arith.constant 0 : i32
    %c0_i32_1 = arith.constant 0 : i32
    return %c0_i32, %c0_i32_0 : i32, i32
  }
  func.func @transform_8(%arg0: i32) -> (i32, i32) {
    %c0_i32 = arith.constant 0 : i32
    %c0_i32_0 = arith.constant 0 : i32
    %c0_i32_1 = arith.constant 0 : i32
    return %c0_i32, %c0_i32_0 : i32, i32
  }
  func.func @transform_9(%arg0: i32) -> (i32, i32) {
    %c0_i32 = arith.constant 0 : i32
    %c0_i32_0 = arith.constant 0 : i32
    %c0_i32_1 = arith.constant 0 : i32
    return %c0_i32, %c0_i32_0 : i32, i32
  }
  func.func @transform_10(%arg0: i32) -> (i32, i32) {
    %c0_i32 = arith.constant 0 : i32
    %c0_i32_0 = arith.constant 0 : i32
    return %arg0, %c0_i32 : i32, i32
  }
}

</mosaic_0001>

<sc_bundles>
// kernel: kernel.4.cloned.1.call-start
scs
__scs_entry_jumppad:
0x0: {  	(pc) =	sbr.rel $0x88, $3  }
0x1: {  	(tag) =	ssettag $0x0;
	lr =	simm.s32 $0x1  }
0x2: {  	[smem:$0x3F97] =	sst lr;
	_ =	strace $0xD0000000  }
0x3: {  	_ = 	snop  }
0x4: {  	_ = 	snop  }
0x5: {  	_ = 	snop  }
0x6: {  	_ = 	snop  }
0x7: {  	_ = 	snop  }
__scs_overlays_trampoline_lowered:
0x8: {  	[smem:$0x3FA6] =	sst s0  }
0x9: {  	[smem:$0x3FA7] =	sst s1  }
0xa: {  	[smem:$0x3FA8] =	sst s2  }
0xb: {  	[smem:$0x3FA9] =	sst s3  }
0xc: {  	[smem:$0x3FAA] =	sst s4  }
0xd: {  	[smem:$0x3FAB] =	sst s5  }
0xe: {  	[smem:$0x3FAC] =	sst s6  }
0xf: {  	[smem:$0x3FAD] =	sst s7  }
0x10: {  	[smem:$0x3FAE] =	sst s8  }
0x11: {  	[smem:$0x3FAF] =	sst s9;
	s0 =	simm.s32 @!p0 $0x0  }
0x12: {  	s1 =	sld [smem:$0x3F95];
	s0 =	simm.s32 @p0 $0x1  }
0x13: {  	[smem:$0x3FB0] =	sst s0;
	s0 =	simm.s32 @!p1 $0x0  }
0x14: {  	s2 =	sld [smem:$0x3F94];
	s0 =	simm.s32 @p1 $0x1  }
0x15: {  	[smem:$0x3FB1] =	sst s0;
	s0 =	simm.s32 @!p2 $0x0  }
0x16: {  	s3 =	sld [smem:$0x3FDB];
	s0 =	simm.s32 @p2 $0x1  }
0x17: {  	s4 =	simm.s32 $0x1BF5;
	[smem:$0x3FB3] =	sst s0  }
0x18: {  	s0 =	sld [smem:$0x3F96];
	_ =	swait.ge [sflag:s4], $0x0  }
0x19: {  	s7 =	sld [smem:$0x3F97]  }
0x1a: {  	s8 =	sadd.s32 $0xFFFFE003, lr  }
0x1b: {  	s9 =	sadd.s32 $0xFFFFFEF7, lr;
	s5 =	simm.s32 $0xFFFFFFFF;
	p2 =	slt.u32 s8, $0xFFFFF086  }
0x1c: {  	p1 =	slt.u32 s9, $0xF7A;
	s5 =	simm.s32 @!p2 $0x0  }
0x1d: {  	s5 =	simm.s32 @p1 $0x1;
	p0 =	seq.s32 s7, s2  }
0x1e: {  	s7 =	smul.u32 @!p0 $0xF7A, s2;
	p2 =	seq.s32 @!p0 s5, $0x0  }
0x1f: {  	s9 =	smul.u32 $0xF7A, s1;
	s8 =	simm.s32 @!p0 $0x1BF5;
	p2 =	por !p2, p0  }
0x20: {  	[sflag:s8] =	ssyncset.s32 @!p0 $0xFFFFF086;
	s6 =	sadd.s32 @!p0 s3, s7;
	s7 =	simm.s32 @!p0 $0x108  }
0x21: {  	s3 =	sadd.s32 s3, s9;
	s6 =	sadd.s32 @!p0 $0x88, s6;
	s7 =	simm.s32 @p2 $0x1082  }
0x22: {  	[simem:s7], [sflag:s8] =	dma.local @!p0 [hbm:s6], $0xF7A  }
0x23: {  	s9 =	sor.u32 $0xD0000000, s2;
	s6 =	simm.s32 $0x108;
	_ =	swait.ge @!p0 [sflag:s8], $0x0  }
0x24: {  	s3 =	sadd.s32 $0x88, s3;
	s6 =	simm.s32 @!p1 $0x1082;
	[sflag:s4] =	ssyncset.s32 $0xFFFFF086  }
0x25: {  	[simem:s6], [sflag:s4] =	dma.local [hbm:s3], $0xF7A  }
0x26: {  	[smem:$0x3F97] =	sst s1;
	(tag) =	ssettag s2;
	_ =	strace s9  }
0x27: {  	s1 =	sld [smem:$0x3FA7]  }
0x28: {  	s2 =	sld [smem:$0x3FA8]  }
0x29: {  	s4 =	sld [smem:$0x3FAA]  }
0x2a: {  	p0 =	seq.s32 s5, $0x0;
	s5 =	sld [smem:$0x3FAB]  }
0x2b: {  	s6 =	sld [smem:$0x3FAC]  }
0x2c: {  	s7 =	sld [smem:$0x3FAD]  }
0x2d: {  	s3 =	simm.s32 $0x108;
	s8 =	sld [smem:$0x3FAE]  }
0x2e: {  	s3 =	simm.s32 @!p0 $0x1082;
	s9 =	sld [smem:$0x3FAF]  }
0x2f: {  	lr =	sadd.s32 s0, s3;
	s0 =	sld [smem:$0x3FA6]  }
0x30: {  	s3 =	sld [smem:$0x3FA9]  }
0x31: {  	[smem:$0x3FB2] =	sst s10  }
0x32: {  	s10 =	sld [smem:$0x3FB0];
	_ =	sdelay $0x3  }
0x33: {  	p0 =	seq.s32 s10, $0x1;
	s10 =	sld [smem:$0x3FB2];
	_ =	sdelay $0x3  }
0x34: {  	[smem:$0x3FB2] =	sst s10  }
0x35: {  	s10 =	sld [smem:$0x3FB1];
	_ =	sdelay $0x3  }
0x36: {  	p1 =	seq.s32 s10, $0x1;
	s10 =	sld [smem:$0x3FB2];
	_ =	sdelay $0x3  }
0x37: {  	[smem:$0x3FB2] =	sst s10  }
0x38: {  	s10 =	sld [smem:$0x3FB3]  }
0x39: {  	_ = 	snop;
	(pc) =	sbr.ind lr, $3  }
0x3a: {  	_ = 	snop  }
0x3b: {  	_ = 	snop  }
0x3c: {  	p2 =	seq.s32 s10, $0x1;
	s10 =	sld [smem:$0x3FB2]  }
0x3d: {  	_ =	shalt  }
0x3e: {  	_ =	shalt  }
0x3f: {  	_ =	shalt  }
0x40: {  	_ =	shalt  }
0x41: {  	_ =	shalt  }
0x42: {  	_ =	shalt  }
0x43: {  	_ =	shalt  }
0x44: {  	_ =	shalt  }
0x45: {  	_ =	shalt  }
0x46: {  	_ =	shalt  }
0x47: {  	_ =	shalt  }
0x48: {  	_ =	shalt  }
0x49: {  	_ =	shalt  }
0x4a: {  	_ =	shalt  }
0x4b: {  	_ =	shalt  }
0x4c: {  	_ =	shalt  }
0x4d: {  	_ =	shalt  }
0x4e: {  	_ =	shalt  }
0x4f: {  	_ =	shalt  }
0x50: {  	_ =	shalt  }
0x51: {  	_ =	shalt  }
0x52: {  	_ =	shalt  }
0x53: {  	_ =	shalt  }
0x54: {  	_ =	shalt  }
0x55: {  	_ =	shalt  }
0x56: {  	_ =	shalt  }
0x57: {  	_ =	shalt  }
0x58: {  	_ =	shalt  }
0x59: {  	_ =	shalt  }
0x5a: {  	_ =	shalt  }
0x5b: {  	_ =	shalt  }
0x5c: {  	_ =	shalt  }
0x5d: {  	_ =	shalt  }
0x5e: {  	_ =	shalt  }
0x5f: {  	_ =	shalt  }
0x60: {  	_ =	shalt  }
0x61: {  	_ =	shalt  }
0x62: {  	_ =	shalt  }
0x63: {  	_ =	shalt  }
0x64: {  	_ =	shalt  }
0x65: {  	_ =	shalt  }
0x66: {  	_ =	shalt  }
0x67: {  	_ =	shalt  }
0x68: {  	_ =	shalt  }
0x69: {  	_ =	shalt  }
0x6a: {  	_ =	shalt  }
0x6b: {  	_ =	shalt  }
0x6c: {  	_ =	shalt  }
0x6d: {  	_ =	shalt  }
0x6e: {  	_ =	shalt  }
0x6f: {  	_ =	shalt  }
0x70: {  	_ =	shalt  }
0x71: {  	_ =	shalt  }
0x72: {  	_ =	shalt  }
0x73: {  	_ =	shalt  }
0x74: {  	_ =	shalt  }
0x75: {  	_ =	shalt  }
0x76: {  	_ =	shalt  }
0x77: {  	_ =	shalt  }
0x78: {  	_ =	shalt  }
0x79: {  	_ =	shalt  }
0x7a: {  	_ =	shalt  }
0x7b: {  	_ =	shalt  }
0x7c: {  	_ =	shalt  }
0x7d: {  	_ =	shalt  }
0x7e: {  	_ =	shalt  }
0x7f: {  	_ =	shalt  }
0x80: {  	_ =	shalt  }
0x81: {  	_ =	shalt  }
0x82: {  	_ =	shalt  }
0x83: {  	_ =	shalt  }
0x84: {  	_ =	shalt  }
0x85: {  	_ =	shalt  }
0x86: {  	_ =	shalt  }
0x87: {  	_ =	shalt  }
.Lfunc_end0:
.L_simem_size_0:
called_computation_lowered:
.L_overlay_start_0:
0x88: {  	s2 =	sld [smem:$0x3FD9]  }
0x89: {  	s3 =	sld [smem:$0x3FFE];
	_ =	sdelay $0x1  }
0x8a: {  	s1 =	srdreg.scid  }
0x8b: {  	s0 =	sand.u32 $0x1, s1  }
0x8c: {  	s17 =	sshll.u32 s0, $0xA;
	s2 =	sadd.s32 s3, s2  }
0x8d: {  	s2 =	sadd.s32 s2, s17  }
0x8e: {  	[smem:$0x3FBE] =	sst s2  }
0x8f: {  	_ = 	snop  }
0x90: {  	s2 =	sld [smem:$0x3FC9]  }
0x91: {  	s18 =	sld [smem:$0x3FD0];
	(tm) =	ssettm $0x1  }
0x92: {  	s4 =	sld [smem:$0x3FFB];
	_ =	sdelay $0x3  }
0x93: {  	_ =	strace s4  }
0x94: {  	s4 =	sld [smem:$0x3FFC];
	_ =	sdelay $0x3  }
0x95: {  	_ =	strace s4  }
0x96: {  	s4 =	sld [smem:$0x3FFD];
	_ =	sdelay $0x3  }
0x97: {  	_ =	strace s4  }
0x98: {  	_ =	strace $0x8FFFFFFF  }
0x99: {  	s19 =	sld [smem:$0x3FDB];
	_ =	sdelay $0x1  }
0x9a: {  	s5 =	simm.s32 $_scs_section_size  }
0x9b: {  	s6 =	simm.s32 $_size__tile_overlayer_lowered;
	s7 =	simm.s32 $_tile_overlayer_lowered  }
0x9c: {  	s22 =	simm.s32 $0x1BFF;
	s21 =	sshll.u32 s7, $0x1;
	s4 =	sadd.s32 s5, s19  }
0x9d: {  	s8 =	simm.s32 $0x0;
	s20 =	sshll.u32 s6, $0x1;
	s6 =	sadd.s32 s21, s4  }
0x9e: {  	[timem:s8], [sflag:s22] =	dma.local [hbm:s6], s20  }
0x9f: {  	_ =	swait.ge [sflag:s22], s20  }
0xa0: {  	s5 =	ssub.s32 $0x0, s20;
	[sflag:s22] =	ssyncset.done $0x0  }
0xa1: {  	[sflag:s22] =	ssyncadd.s32 s5;
	_ =	sdelay $0x1  }
0xa2: {  	s23 =	simm.s32 $0x1B8B  }
0xa3: {  	_ =	swait.ge [sflag:s23], $0x1  }
0xa4: {  	[sflag:s23] =	ssyncset.done $0x0  }
0xa5: {  	s25 =	simm.s32 $0x1B8E;
	s24 =	sld [smem:$0x3FFE];
	[sflag:s23] =	ssyncadd.s32 $0xFFFFFFFF  }
0xa6: {  	s26 =	simm.s32 $execute0_lowered;
	[smem:$0x3FD2] =	sst s25  }
0xa7: {  	s6 =	sshll.u32 s26, $0x1;
	_ =	strace $0x80000046;
	[dreg:$0x1] =	wrdreg $0xFFFFFFFF  }
0xa8: {  	s28 =	simm.s32 $_size_execute0_lowered;
	s4 =	sadd.s32 s4, s6;
	[dreg:$0x0] =	wrdreg $0x0  }
0xa9: {  	s6 =	sshll.u32 s28, $0x1;
	[dreg:$0x2] =	wrdreg s4  }
0xaa: {  	[dreg:$0x3] =	wrdreg s6  }
0xab: {  	[dreg:$0x4] =	wrdreg $0xC0  }
0xac: {  	_ =	task [dreg:s8], $0x5FFFF  }
0xad: {  	[dreg:$0x1] =	wrdreg $0xFFFFFFFF  }
0xae: {  	[dreg:$0x0] =	wrdreg $0x60  }
0xaf: {  	[dreg:$0x2] =	wrdreg s2  }
0xb0: {  	[dreg:$0x3] =	wrdreg s18  }
0xb1: {  	[dreg:$0x4] =	wrdreg s24  }
0xb2: {  	[dreg:$0x5] =	wrdreg $0xB0400  }
0xb3: {  	[dreg:$0x6] =	wrdreg $0x9  }
0xb4: {  	_ =	task.clear_ibuf [dreg:s8], $0x7FFFF;
	_ =	strace $0x90000046  }
0xb5: {  	s29 =	simm.s32 $0x9;
	_ =	strace $0x80000048  }
0xb6: {  	_ =	swait.ge [sflag:s29], $0x1  }
0xb7: {  	[sflag:s29] =	ssyncadd.s32 $0xFFFFFFFF  }
0xb8: {  	_ =	strace $0x90000048  }
0xb9: {  	_ =	sfence  }
0xba: {  	s30 =	sld [smem:$0x0];
	_ =	sdelay $0x2  }
0xbb: {  	s31 =	sshll.u32 s1, $0xD;
	s1 =	sshrl.u32 s1, $0x2  }
0xbc: {  	s3 =	sand.u32 $0x4000, s31;
	s1 =	sadd.s32 s1, s30  }
0xbd: {  	s0 =	sor.u32 s3, s0;
	s1 =	sshll.u32 s1, $0x11  }
0xbe: {  	s0 =	sor.u32 s1, s0  }
0xbf: {  	s0 =	sadd.s32 $0x8F2B, s0  }
0xc0: {  	[sflag:s0] =	ssyncadd.remote.s32 $0x1  }
0xc1: {  	_ =	sfence.sel $0xFFFF  }
0xc2: {  	[dreg:$0x0] =	wrdreg $0xFFFFFFFF;
	(pc) =	sbr.abs _section_cstart, $3  }
0xc3: {  	[dreg:$0x1] =	wrdreg $0xFFFFFFFF  }
0xc4: {  	_ =	task.clear_ibuf [dreg:s8], $0x2FFFF;
	_ =	strace $0x9FFFFFFF  }
0xc5: {  	(tm) =	ssettm $0x7FFFFFFF  }
tec
execute0_lowered:
.L_overlay_start_1:
0x0: {  	(tag) =	ssettag $0x1  }
0x1: {  	s1 =	rddreg [dreg:$0x0]  }
0x2: {  	s6 =	rddreg [dreg:$0x1]  }
0x3: {  	s7 =	rddreg [dreg:$0x2]  }
0x4: {  	s3 =	rddreg [dreg:$0x3]  }
0x5: {  	s0 =	rddreg [dreg:$0x4]  }
0x6: {  	s4 =	srdreg.scid;
	s2 =	stileid.u32;
	s13 =	simm.s32 $0x5040  }
0x7: {  	s14 =	simm.s32 $0x8040;
	s17 =	simm.s32 $0x1;
	s18 =	simm.s32 $0x2  }
0x8: {  	s19 =	simm.s32 $0x4F20;
	s20 =	simm.s32 $0x27C0;
	s21 =	simm.s32 $0x4F80  }
0x9: {  	s22 =	simm.s32 $0x4FE0;
	s23 =	simm.s32 $0x0;
	s5 =	sand.u32 $0x1, s4  }
0xa: {  	s8 =	sshll.u32 s2, $0x1;
	s9 =	smul.u32 $0x14000, s2;
	s4 =	simm.s32 $0x0  }
0xb: {  	s15 =	sshll.u32 s2, $0x6;
	s8 =	sor.u32 s5, s8;
	s10 =	smul.u32 $0x140000, s5  }
0xc: {  	[smem:$0x7FF] =	sst s4;
	s12 =	ssub.s32 $0x2, s5;
	s5 =	sadd.s32 $0xB800, s7  }
0xd: {  	s15 =	sor.u32 $0x1C03, s15;
	s8 =	smul.u32 $0x504, s8;
	_ =	strace $0x80000047  }
0xe: {  	s31 =	sshrl.u32 s12, $0x1;
	s16 =	sadd.s32 s9, s3;
	s10 =	sadd.s32 s9, s10  }
0xf: {  	s12 =	ssub.s32 s12, s31;
	s16 =	sshrl.u32 s16, $0x3;
	s11 =	sadd.s32 s8, s7  }
0x10: {  	s10 =	sshrl.u32 s10, $0x3;
	s6 =	sadd.s32 s6, s8;
	s9 =	smax.u32 s12, $0x1  }
0x11: {  	s12 =	simm.s32 $0x60;
	s10 =	sadd.s32 s10, s7;
	s7 =	sadd.s32 $0x1600, s11  }
0x12: {  	s11 =	simm.s32 $0x2820;
	s8 =	sadd.s32 $0xE000, s10;
	s10 =	simm.s32 $0x3  }
.LBB2_1:
0x13: {  	[tilespmem:s4], [sflag:$0x3] =	stream.linear.gather [hbm4b:s6+s4], $0x2820, $0x38;
	[tilespmem:$0x1F040] =	vst v63  }
0x14: {  	_ =	swait.ge [sflag:s10], $0x2820  }
0x15: {  	[sflag:s10] =	ssyncset.done $0x0  }
0x16: {  	[sflag:s10] =	ssyncadd.s32 $0xFFFFD7E0  }
0x17: {  	[tilespmem:s11], [sflag:$0x3] =	stream.linear.gather [hbm4b:s7+s4], $0x2820, $0x38;
	[tilespmem:$0x1F040] =	vst v63  }
0x18: {  	_ =	swait.ge [sflag:s10], $0x2820  }
0x19: {  	[sflag:s10] =	ssyncset.done $0x0  }
0x1a: {  	[sflag:s10] =	ssyncadd.s32 $0xFFFFD7E0  }
0x1b: {  	[tilespmem:s13], [sflag:$0x1] =	stream.indirect.gather [hbm4b:s1+s12], $0x80, s4, s12, $0xb8;
	[tilespmem:$0x1F040] =	vst v63  }
0x1c: {  	_ = 	snop  }
0x1d: {  	[tilespmem:s14], [sflag:$0x2] =	stream.indirect.gather [hbm4b:s1+s12], $0x80, s12, s12, $0xb8;
	[tilespmem:$0x1F040] =	vst v63  }
0x1e: {  	[spmem:s16], [sflag:s15] =	dma.local [hbm:s5], $0x2800  }
0x1f: {  	_ =	swait.ge [sflag:s10], $0x2800  }
0x20: {  	[sflag:s10] =	ssyncset.done $0x0  }
0x21: {  	[sflag:s10] =	ssyncadd.s32 $0xFFFFD800  }
0x22: {  	[bflag:$0x0] =	sbarrier.arrive $0xFFFF  }
0x23: {  	_ =	swait.ge [sflag:s17], $0x3000  }
0x24: {  	[sflag:s17] =	ssyncset.done $0x0  }
0x25: {  	s24 =	simm.s32 $0x2820;
	[sflag:s17] =	ssyncadd.s32 $0xFFFFD000  }
0x26: {  	[spmem:s3] =	stream.indirect.scatter.add.f32 [tilespmem:s13], [sflag:$0x3], $0x80, s24, s12, $0xb8;
	[tilespmem:$0x1F040] =	vst v63  }
0x27: {  	_ =	swait.ge [sflag:s10], $0x3000  }
0x28: {  	[sflag:s10] =	ssyncset.done $0x0  }
0x29: {  	s30 =	simm.s32 $0xC0;
	[sflag:s10] =	ssyncadd.s32 $0xFFFFD000  }
0x2a: {  	[tilespmem:s13], [sflag:$0x1] =	stream.indirect.gather [hbm4b:s1+s12], $0x80, s30, s12, $0xb8;
	[tilespmem:$0x1F040] =	vst v63  }
0x2b: {  	_ =	swait.ge [sflag:s18], $0x3000  }
0x2c: {  	[sflag:s18] =	ssyncset.done $0x0  }
0x2d: {  	s31 =	simm.s32 $0x2880;
	[sflag:s18] =	ssyncadd.s32 $0xFFFFD000  }
0x2e: {  	[spmem:s3] =	stream.indirect.scatter.add.f32 [tilespmem:s14], [sflag:$0x3], $0x80, s31, s12, $0xb8;
	[tilespmem:$0x1F040] =	vst v63  }
0x2f: {  	_ =	swait.ge [sflag:s10], $0x3000  }
0x30: {  	[sflag:s10] =	ssyncset.done $0x0  }
0x31: {  	s25 =	simm.s32 $0x120;
	s24 =	simm.s32 $0x300;
	[sflag:s10] =	ssyncadd.s32 $0xFFFFD000  }
.LBB2_2:
0x32: {  	[tilespmem:s14], [sflag:$0x2] =	stream.indirect.gather [hbm4b:s1+s12], $0x80, s25, s12, $0xb8;
	[tilespmem:$0x1F040] =	vst v63  }
0x33: {  	s25 =	smov.u32 s24  }
0x34: {  	p0 =	sne.s32 s24, $0x9900;
	s24 =	sadd.s32 $0x300, s24;
	_ =	swait.ge [sflag:s17], $0x3000  }
0x35: {  	s25 =	sshra.s32 s25, $0x2;
	[sflag:s17] =	ssyncset.done $0x0  }
0x36: {  	s26 =	sadd.s32 $0x2820, s25;
	[sflag:s17] =	ssyncadd.s32 $0xFFFFD000  }
0x37: {  	[spmem:s3] =	stream.indirect.scatter.add.f32 [tilespmem:s13], [sflag:$0x3], $0x80, s26, s12, $0xb8;
	[tilespmem:$0x1F040] =	vst v63  }
0x38: {  	_ =	swait.ge [sflag:s10], $0x3000  }
0x39: {  	[sflag:s10] =	ssyncset.done $0x0  }
0x3a: {  	s26 =	sadd.s32 $0xC0, s25;
	[sflag:s10] =	ssyncadd.s32 $0xFFFFD000  }
0x3b: {  	[tilespmem:s13], [sflag:$0x1] =	stream.indirect.gather [hbm4b:s1+s12], $0x80, s26, s12, $0xb8;
	[tilespmem:$0x1F040] =	vst v63  }
0x3c: {  	_ =	swait.ge [sflag:s18], $0x3000  }
0x3d: {  	[sflag:s18] =	ssyncset.done $0x0  }
.Ltmp0:
0x3e: {  	s26 =	sadd.s32 $0x2880, s25;
	[sflag:s18] =	ssyncadd.s32 $0xFFFFD000;
	(pc) =	sbr.rel @p0 .LBB2_2-.Ltmp0, $4  }
0x3f: {  	[spmem:s3] =	stream.indirect.scatter.add.f32 [tilespmem:s14], [sflag:$0x3], $0x80, s26, s12, $0xb8;
	[tilespmem:$0x1F040] =	vst v63  }
0x40: {  	_ =	swait.ge [sflag:s10], $0x3000  }
0x41: {  	[sflag:s10] =	ssyncset.done $0x0  }
0x42: {  	s25 =	sadd.s32 $0x120, s25;
	[sflag:s10] =	ssyncadd.s32 $0xFFFFD000  }
0x43: {  	[tilespmem:s14], [sflag:$0x2] =	stream.indirect.gather [hbm4b:s1+s12], $0x80, s25, s12, $0xb8;
	[tilespmem:$0x1F040] =	vst v63  }
0x44: {  	_ =	swait.ge [sflag:s17], $0x3000  }
0x45: {  	[sflag:s17] =	ssyncset.done $0x0  }
0x46: {  	[sflag:s17] =	ssyncadd.s32 $0xFFFFD000  }
0x47: {  	[spmem:s3] =	stream.indirect.scatter.add.f32 [tilespmem:s13], [sflag:$0x3], $0x80, s19, s12, $0xb8;
	[tilespmem:$0x1F040] =	vst v63  }
0x48: {  	_ =	swait.ge [sflag:s10], $0x3000  }
0x49: {  	[sflag:s10] =	ssyncset.done $0x0  }
0x4a: {  	[sflag:s10] =	ssyncadd.s32 $0xFFFFD000  }
0x4b: {  	[tilespmem:s13], [sflag:$0x1] =	stream.indirect.gather [hbm4b:s1+s12], $0x80, s20, s12, $0xb8;
	[tilespmem:$0x1F040] =	vst v63  }
0x4c: {  	_ =	swait.ge [sflag:s18], $0x3000  }
0x4d: {  	[sflag:s18] =	ssyncset.done $0x0  }
0x4e: {  	[sflag:s18] =	ssyncadd.s32 $0xFFFFD000  }
0x4f: {  	[spmem:s3] =	stream.indirect.scatter.add.f32 [tilespmem:s14], [sflag:$0x3], $0x80, s21, s12, $0xb8;
	[tilespmem:$0x1F040] =	vst v63  }
0x50: {  	_ =	swait.ge [sflag:s10], $0x3000  }
0x51: {  	[sflag:s10] =	ssyncset.done $0x0  }
0x52: {  	[sflag:s10] =	ssyncadd.s32 $0xFFFFD000  }
0x53: {  	_ =	swait.ge [sflag:s17], $0x3000  }
0x54: {  	[sflag:s17] =	ssyncset.done $0x0  }
0x55: {  	[sflag:s17] =	ssyncadd.s32 $0xFFFFD000  }
0x56: {  	[spmem:s3] =	stream.indirect.scatter.add.f32 [tilespmem:s13], [sflag:$0x3], $0x80, s22, s12, $0xb8;
	[tilespmem:$0x1F040] =	vst v63  }
0x57: {  	_ =	swait.ge [sflag:s10], $0x3000  }
0x58: {  	s23 =	sadd.s32 $0x1, s23;
	[sflag:s10] =	ssyncset.done $0x0  }
0x59: {  	p0 =	sne.s32 s23, s9;
	[sflag:s10] =	ssyncadd.s32 $0xFFFFD000  }
.Ltmp1:
0x5a: {  	[bflag:$0x0] =	sbarrier.arrive $0xFFFF;
	(pc) =	sbr.rel @p0 .LBB2_1-.Ltmp1, $4  }
0x5b: {  	[hbm:s8], [sflag:s15] =	dma.local [spmem:s16], $0x2800  }
0x5c: {  	_ =	swait.ge [sflag:s10], $0x2800  }
0x5d: {  	[sflag:s10] =	ssyncset.done $0x0  }
0x5e: {  	[sflag:s10] =	ssyncadd.s32 $0xFFFFD800  }
0x5f: {  	_ =	sfence.sel $0x180000  }
0x60: {  	[bflag:$0x0] =	sbarrier.arrive $0xFFFF  }
0x61: {  	p0 =	sne.s32 s2, $0x0;
	_ =	strace $0x90000047  }
0x62: {  	s0 =	sadd.s32 @!p0 $0x100000, s0;
	[bflag:$0x2] =	sbarrier.arrive $0xFFFF  }
0x63: {  	[sflag:s0] =	ssyncadd.tile.s32 @!p0 $0x1;
	_ =	shalt  }
.Lfunc_end2:
_tile_overlayer_lowered:
.L_overlay_start_2:
0x64: {  	(tag) =	ssettag $0x2  }
0x65: {  	s0 =	rddreg [dreg:$0x0];
	s2 =	stileid.u32  }
0x66: {  	s1 =	rddreg [dreg:$0x1];
	p0 =	sne.s32 s2, $0x0  }
0x67: {  	s3 =	rddreg [dreg:$0x2];
	[bflag:$0x3] =	sbarrier.arrive $0xFFFF;
	s2 =	simm.s32 @!p0 $0x1C03  }
0x68: {  	[timem:s3], [sflag:s2] =	dma.local @!p0 [hbm:s0], s1  }
0x69: {  	s0 =	simm.s32 @!p0 $0x3  }
0x6a: {  	_ =	swait.ge @!p0 [sflag:s0], s1  }
0x6b: {  	s1 =	ssub.s32 @!p0 $0x0, s1;
	[sflag:s0] =	ssyncset.done @!p0 $0x0  }
0x6c: {  	[sflag:s0] =	ssyncadd.s32 @!p0 s1  }
0x6d: {  	[bflag:$0x3] =	sbarrier.arrive $0xFFFF  }
0x6e: {  	_ =	shalt  }

</sc_bundles>
